<compile_context>
chip_gen: v7x
topology: tpu7x:2x2x1
jax: 0.10.2.dev20260603
libtpu: 0.0.44.dev20260713+nightly
codegen_flags: <defaults>
</compile_context>

<pallas_src>
import functools

import jax
import jax.numpy as jnp
from jax import lax
from jax.experimental import pallas as pl
from jax.experimental.pallas import tpu as pltpu
from jax.experimental.pallas import tpu_sc as plsc

NC, NS, L = 2, 16, 16
NW = NC * NS
NCH = 96
CPW = NCH // NW
NPIX = 512 * 512
CHUNK = 16384
NCHUNK = NPIX // CHUNK
NVEC = CHUNK // L
NBINS = 256
NGRP = NBINS // L


def _eq_body(img_hbm, out_hbm, xb, ob, hist, excl, lut):
    c = lax.axis_index("c")
    s = lax.axis_index("s")
    wid = s * NC + c
    lanes = lax.iota(jnp.int32, L)
    ones = jnp.ones((L,), jnp.int32)

    def per_channel(ci, _):
        ch = wid * CPW + ci
        base = ch * NPIX

        def zero_row(b, _):
            hist[pl.ds(b * L, L)] = jnp.zeros((L,), jnp.int32)
            return 0
        lax.fori_loop(0, NBINS, zero_row, 0)

        def p1_chunk(k, _):
            pltpu.sync_copy(img_hbm.at[pl.ds(base + k * CHUNK, CHUNK)], xb)

            def p1_vec(i, _):
                x = xb[pl.ds(i * L, L)]
                q = jnp.clip((x * 256.0).astype(jnp.int32), 0, 255)
                plsc.addupdate_scatter(hist, [q * L + lanes], ones)
                return 0
            lax.fori_loop(0, NVEC, p1_vec, 0)
            return 0
        lax.fori_loop(0, NCHUNK, p1_chunk, 0)

        def lut_a(g, carry):
            run, cntv = carry
            rows = g * L + lanes
            t = jnp.zeros((L,), jnp.int32)

            def diag(l, t):
                cols = (lanes + l) & (L - 1)
                return t + plsc.load_gather(hist, [rows * L + cols])
            t = lax.fori_loop(0, L, diag, t)
            inc = plsc.cumsum(t)
            cdf_g = run + inc
            excl[pl.ds(g * L, L)] = cdf_g - t
            cntv = cntv + jnp.where(cdf_g == NPIX, 1, 0).astype(jnp.int32)
            return jnp.max(cdf_g), cntv

        run0 = jnp.int32(0)
        cnt0 = jnp.zeros((L,), jnp.int32)
        _, cntv = lax.fori_loop(0, NGRP, lut_a, (run0, cnt0))
        last = jnp.int32(NBINS) - jnp.sum(cntv)
        excl_last = plsc.load_gather(excl, [jnp.broadcast_to(last, (L,))])
        step = lax.div(excl_last, jnp.int32(255))
        safe = jnp.maximum(step, 1)
        half = lax.div(step, jnp.int32(2))

        def lut_b(g, _):
            e = excl[pl.ds(g * L, L)]
            lv = jnp.clip(lax.div(e + half, safe), 0, 255)
            bins = g * L + lanes
            li = jnp.where(step == 0, bins, lv)
            lut[pl.ds(g * L, L)] = li.astype(jnp.float32) * jnp.float32(1.0 / 255.0)
            return 0
        lax.fori_loop(0, NGRP, lut_b, 0)

        def p2_chunk(k, _):
            pltpu.sync_copy(img_hbm.at[pl.ds(base + k * CHUNK, CHUNK)], xb)

            def p2_vec(i, _):
                x = xb[pl.ds(i * L, L)]
                q = jnp.clip((x * 256.0).astype(jnp.int32), 0, 255)
                ob[pl.ds(i * L, L)] = plsc.load_gather(lut, [q])
                return 0
            lax.fori_loop(0, NVEC, p2_vec, 0)
            pltpu.sync_copy(ob, out_hbm.at[pl.ds(base + k * CHUNK, CHUNK)])
            return 0
        lax.fori_loop(0, NCHUNK, p2_chunk, 0)
        return 0

    lax.fori_loop(0, CPW, per_channel, 0)


_mesh = plsc.VectorSubcoreMesh(core_axis_name="c", subcore_axis_name="s")

_eq_call = functools.partial(
    pl.kernel,
    out_type=jax.ShapeDtypeStruct((NCH * NPIX,), jnp.float32),
    mesh=_mesh,
    compiler_params=pltpu.CompilerParams(needs_layout_passes=False),
    scratch_types=[
        pltpu.VMEM((CHUNK,), jnp.float32),
        pltpu.VMEM((CHUNK,), jnp.float32),
        pltpu.VMEM((NBINS * L,), jnp.int32),
        pltpu.VMEM((NBINS,), jnp.int32),
        pltpu.VMEM((NBINS,), jnp.float32),
    ],
)(_eq_body)


def kernel(img, label):
    B, C, H, W = img.shape
    out = _eq_call(img.reshape(-1))
    return out.reshape(B, C, H, W), label

# --- scband reference (transcript-rebuilt; emitter-appended) ---
"""Pipeline reference for scband-hist-eq-50620484550867 (READ-ONLY COPY).

The authoritative reference and input builder live on the scoring server;
editing this copy changes nothing except your own understanding.
"""

import jax, jax.numpy as jnp
import numpy as np

# Faithful JAX port of torchvision F.equalize (uint8 algorithm) applied with p=1.0
# (module was constructed with p=1.0 so the stochastic branch always fires).
# Input img is float32 in [0,1); we quantize to 0..255 integer levels like a uint8 image.

def _equalize_channel(ch):
    # ch: int32 [H, W], values in 0..255
    flat = ch.reshape(-1)
    hist = jnp.zeros((256,), dtype=jnp.int32).at[flat].add(1)
    nz = hist != 0
    # index of last nonzero histogram bin
    last_idx = 255 - jnp.argmax(nz[::-1])
    # step = sum of all nonzero hist entries except the last one, floor-div 255
    step = (jnp.sum(hist) - hist[last_idx]) // 255
    safe_step = jnp.maximum(step, 1)
    lut = (jnp.cumsum(hist) + step // 2) // safe_step
    lut = jnp.concatenate([jnp.zeros((1,), lut.dtype), lut])[:-1]
    lut = jnp.clip(lut, 0, 255)
    out = lut[ch]
    # if step == 0, torchvision returns the channel unchanged
    return jnp.where(step == 0, ch, out)


def _equalize(img):
    # img: float32 [B, C, H, W] in [0, 1)
    B, C, H, W = img.shape
    q = jnp.clip(jnp.floor(img * 256.0), 0.0, 255.0).astype(jnp.int32)
    flat = q.reshape(B * C, H, W)
    eq = jax.vmap(_equalize_channel)(flat)
    return (eq.reshape(B, C, H, W).astype(jnp.float32)) / 255.0


def setup_inputs(seed: int = 0) -> dict:
    key = jax.random.key(seed)
    k1, k2 = jax.random.split(key)
    img = jax.random.uniform(k1, (32, 3, 512, 512), dtype=jnp.float32)
    label = jax.random.randint(k2, (32,), 0, 1000, dtype=jnp.int64 if jax.config.jax_enable_x64 else jnp.int32).astype(jnp.int32)
    return {"img": img, "label": label}


def reference(img, label):
    # p=1.0 -> always equalize
    return (_equalize(img), label)

if __name__ == "__main__":
    import jax
    _d = setup_inputs()
    print(jax.jit(kernel)(*tuple(_d.values())))

</pallas_src>

<mosaic_0001>
#map = affine_map<(d0, d1) -> (0)>
module attributes {stable_mosaic.version = 14 : i64} {
  func.func @_eq_body(%arg0: i32, %arg1: i32, %arg2: memref<25165824xf32, #tpu.memory_space<hbm>>, %arg3: memref<25165824xf32, #tpu.memory_space<hbm>>, %arg4: memref<16384xf32, #tpu.memory_space<vmem>>, %arg5: memref<16384xf32, #tpu.memory_space<vmem>>, %arg6: memref<4096xi32, #tpu.memory_space<vmem>>, %arg7: memref<256xi32, #tpu.memory_space<vmem>>, %arg8: memref<256xf32, #tpu.memory_space<vmem>>) attributes {dimension_semantics = [#tpu.dimension_semantics<core_parallel>, #tpu.dimension_semantics<subcore_parallel>], iteration_bounds = array<i64: 2, 16>, scalar_prefetch = 0 : i64, scratch_operands = 5 : i64, tpu.core_type = #tpu.core_type<sc_vector_subcore>, window_params = [{transform_indices = #map}, {transform_indices = #map}]} {
    %mul3A = arith.constant 2 : i32
    %mul3A_0 = arith.muli %arg1, %mul3A : i32
    %add3A = arith.addi %mul3A_0, %arg0 : i32
    %iota3A = tpu.iota {dimensions = array<i32: 0>} : vector<16xi32>
    %broadcast_in_dim3A = arith.constant 1 : i32
    %broadcast_in_dim3A_1 = vector.broadcast %broadcast_in_dim3A : i32 to vector<16xi32>
    %scan3A = arith.constant 0 : i32
    %scan3A_2 = arith.constant 0 : i32
    %scan3A_3 = arith.constant 3 : i32
    %scan3A_4 = arith.addi %scan3A_2, %scan3A_3 : i32
    %scan3A_5 = arith.constant 1 : i32
    %scan3A_6 = scf.for %scan3A_8 = %scan3A_2 to %scan3A_4 step %scan3A_5 iter_args(%scan3A_9 = %scan3A) -> (i32)  : i32 {
      %mul3A_10 = arith.constant 3 : i32
      %mul3A_11 = arith.muli %add3A, %mul3A_10 : i32
      %add3A_12 = arith.addi %mul3A_11, %scan3A_8 : i32
      %mul3A_13 = arith.constant 262144 : i32
      %mul3A_14 = arith.muli %add3A_12, %mul3A_13 : i32
      %scan3A_15 = arith.constant 0 : i32
      %scan3A_16 = arith.constant 0 : i32
      %scan3A_17 = arith.constant 256 : i32
      %scan3A_18 = arith.addi %scan3A_16, %scan3A_17 : i32
      %scan3A_19 = arith.constant 1 : i32
      %scan3A_20 = scf.for %scan3A_65 = %scan3A_16 to %scan3A_18 step %scan3A_19 iter_args(%scan3A_66 = %scan3A_15) -> (i32)  : i32 {
        %broadcast_in_dim3A_67 = arith.constant 0 : i32
        %broadcast_in_dim3A_68 = vector.broadcast %broadcast_in_dim3A_67 : i32 to vector<16xi32>
        %mul3A_69 = arith.constant 16 : i32
        %mul3A_70 = arith.muli %scan3A_65, %mul3A_69 : i32
        %swap3A = arith.index_cast %mul3A_70 : i32 to index
        %swap3A_71 = tpu.vector_load %arg6[%swap3A] {strides = array<i32>} : memref<4096xi32, #tpu.memory_space<vmem>>, vector<16xi32>,
        tpu.vector_store %arg6[%swap3A], %broadcast_in_dim3A_68 {strides = array<i32>} : memref<4096xi32, #tpu.memory_space<vmem>>, vector<16xi32>,
        %scan3A_72 = arith.constant 0 : i32
        scf.yield %scan3A_72 : i32
      }
      %scan3A_21 = arith.constant 256 : i32
      %scan3A_22 = arith.constant 0 : i32
      %scan3A_23 = arith.constant 0 : i32
      %scan3A_24 = arith.constant 16 : i32
      %scan3A_25 = arith.addi %scan3A_23, %scan3A_24 : i32
      %scan3A_26 = arith.constant 1 : i32
      %scan3A_27 = scf.for %scan3A_65 = %scan3A_23 to %scan3A_25 step %scan3A_26 iter_args(%scan3A_66 = %scan3A_22) -> (i32)  : i32 {
        %mul3A_67 = arith.constant 16384 : i32
        %mul3A_68 = arith.muli %scan3A_65, %mul3A_67 : i32
        %add3A_69 = arith.addi %mul3A_14, %mul3A_68 : i32
        "tpu.region"() ({
          %run_scoped3A = tpu.sem_alloc : memref<!tpu.dma_semaphore, #tpu.memory_space<semaphore_mem>>
          %dma_start3A = tpu.memref_slice %arg2[%add3A_69] : memref<25165824xf32, #tpu.memory_space<hbm>> -> memref<16384xf32, #tpu.memory_space<hbm>>
          %dma_start3A_78 = tpu.memref_slice %arg2[%add3A_69] : memref<25165824xf32, #tpu.memory_space<hbm>> -> memref<16384xf32, #tpu.memory_space<hbm>>
          tpu.enqueue_dma source(%dma_start3A_78 : memref<16384xf32, #tpu.memory_space<hbm>>) target(%arg4 : memref<16384xf32, #tpu.memory_space<vmem>>) target_semaphore(%run_scoped3A : memref<!tpu.dma_semaphore, #tpu.memory_space<semaphore_mem>>)
          %dma_wait3A = tpu.memref_slice %arg2[%add3A_69] : memref<25165824xf32, #tpu.memory_space<hbm>> -> memref<16384xf32, #tpu.memory_space<hbm>>
          %dma_wait3A_79 = tpu.memref_slice %arg2[%add3A_69] : memref<25165824xf32, #tpu.memory_space<hbm>> -> memref<16384xf32, #tpu.memory_space<hbm>>
          tpu.wait_dma2 semaphore(%run_scoped3A : memref<!tpu.dma_semaphore, #tpu.memory_space<semaphore_mem>>) src(%dma_wait3A_79 : memref<16384xf32, #tpu.memory_space<hbm>>) dst(%arg4 : memref<16384xf32, #tpu.memory_space<vmem>>)
          tpu.yield
        }) : () -> ()
        %scan3A_70 = arith.constant 0 : i32
        %scan3A_71 = arith.constant 0 : i32
        %scan3A_72 = arith.constant 1024 : i32
        %scan3A_73 = arith.addi %scan3A_71, %scan3A_72 : i32
        %scan3A_74 = arith.constant 1 : i32
        %scan3A_75 = scf.for %scan3A_78 = %scan3A_71 to %scan3A_73 step %scan3A_74 iter_args(%scan3A_79 = %scan3A_70) -> (i32)  : i32 {
          %mul3A_80 = arith.constant 16 : i32
          %mul3A_81 = arith.muli %scan3A_78, %mul3A_80 : i32
          %get3A = arith.index_cast %mul3A_81 : i32 to index
          %get3A_82 = tpu.vector_load %arg4[%get3A] {strides = array<i32>} : memref<16384xf32, #tpu.memory_space<vmem>>, vector<16xf32>,
          %mul3A_83 = arith.constant 2.560000e+02 : f32
          %mul3A_84 = vector.broadcast %mul3A_83 : f32 to vector<16xf32>
          %mul3A_85 = arith.mulf %get3A_82, %mul3A_84 : vector<16xf32>
          %convert_element_type3A = arith.fptosi %mul3A_85 : vector<16xf32> to vector<16xi32>
          %jit3A = arith.constant 0 : i32
          %jit3A_86 = arith.constant 255 : i32
          %max3A_87 = vector.broadcast %jit3A : i32 to vector<16xi32>
          %max3A_88 = arith.maxsi %max3A_87, %convert_element_type3A : vector<16xi32>
          %min3A = vector.broadcast %jit3A_86 : i32 to vector<16xi32>
          %min3A_89 = arith.minsi %min3A, %max3A_88 : vector<16xi32>
          %mul3A_90 = arith.constant 16 : i32
          %mul3A_91 = vector.broadcast %mul3A_90 : i32 to vector<16xi32>
          %mul3A_92 = arith.muli %min3A_89, %mul3A_91 : vector<16xi32>
          %add3A_93 = arith.addi %mul3A_92, %iota3A : vector<16xi32>
          tpu.vector_store_idx %arg6[%add3A_93], %broadcast_in_dim3A_1 {add = true} : memref<4096xi32, #tpu.memory_space<vmem>>[vector<16xi32>], vector<16xi32>,
          %scan3A_94 = arith.constant 0 : i32
          scf.yield %scan3A_94 : i32
        }
        %scan3A_76 = arith.constant 1024 : i32
        %scan3A_77 = arith.constant 0 : i32
        scf.yield %scan3A_77 : i32
      }
      %scan3A_28 = arith.constant 16 : i32
      %broadcast_in_dim3A_29 = arith.constant 0 : i32
      %broadcast_in_dim3A_30 = vector.broadcast %broadcast_in_dim3A_29 : i32 to vector<16xi32>
      %scan3A_31 = arith.constant 0 : i32
      %scan3A_32 = arith.constant 0 : i32
      %scan3A_33 = arith.constant 16 : i32
      %scan3A_34 = arith.addi %scan3A_32, %scan3A_33 : i32
      %scan3A_35 = arith.constant 1 : i32
      %scan3A_36:2 = scf.for %scan3A_65 = %scan3A_32 to %scan3A_34 step %scan3A_35 iter_args(%scan3A_66 = %scan3A_31, %scan3A_67 = %broadcast_in_dim3A_30) -> (i32, vector<16xi32>)  : i32 {
        %mul3A_68 = arith.constant 16 : i32
        %mul3A_69 = arith.muli %scan3A_65, %mul3A_68 : i32
        %add3A_70 = vector.broadcast %mul3A_69 : i32 to vector<16xi32>
        %add3A_71 = arith.addi %add3A_70, %iota3A : vector<16xi32>
        %broadcast_in_dim3A_72 = arith.constant 0 : i32
        %broadcast_in_dim3A_73 = vector.broadcast %broadcast_in_dim3A_72 : i32 to vector<16xi32>
        %scan3A_74 = arith.constant 0 : i32
        %scan3A_75 = arith.constant 16 : i32
        %scan3A_76 = arith.addi %scan3A_74, %scan3A_75 : i32
        %scan3A_77 = arith.constant 1 : i32
        %scan3A_78 = scf.for %scan3A_101 = %scan3A_74 to %scan3A_76 step %scan3A_77 iter_args(%scan3A_102 = %broadcast_in_dim3A_73) -> (vector<16xi32>)  : i32 {
          %add3A_103 = vector.broadcast %scan3A_101 : i32 to vector<16xi32>
          %add3A_104 = arith.addi %iota3A, %add3A_103 : vector<16xi32>
          %and3A = arith.constant 15 : i32
          %and3A_105 = vector.broadcast %and3A : i32 to vector<16xi32>
          %and3A_106 = arith.andi %add3A_104, %and3A_105 : vector<16xi32>
          %mul3A_107 = arith.constant 16 : i32
          %mul3A_108 = vector.broadcast %mul3A_107 : i32 to vector<16xi32>
          %mul3A_109 = arith.muli %add3A_71, %mul3A_108 : vector<16xi32>
          %add3A_110 = arith.addi %mul3A_109, %and3A_106 : vector<16xi32>
          %gather3A_111 = tpu.vector_load_idx %arg6[%add3A_110] : memref<4096xi32, #tpu.memory_space<vmem>>[vector<16xi32>], vector<16xi32>,
          %add3A_112 = arith.addi %scan3A_102, %gather3A_111 : vector<16xi32>
          scf.yield %add3A_112 : vector<16xi32>
        }
        %scan3A_79 = arith.constant 16 : i32
        %broadcast_in_dim3A_80 = arith.constant true
        %broadcast_in_dim3A_81 = vector.broadcast %broadcast_in_dim3A_80 : i1 to vector<16xi1>
        %masked_cumsum3A = tpu.scan <sum>, %scan3A_78 masked %broadcast_in_dim3A_81 : vector<16xi32>, vector<16xi1> -> vector<16xi32>
        %add3A_82 = vector.broadcast %scan3A_66 : i32 to vector<16xi32>
        %add3A_83 = arith.addi %add3A_82, %masked_cumsum3A : vector<16xi32>
        %sub3A_84 = arith.subi %add3A_83, %scan3A_78 : vector<16xi32>
        %mul3A_85 = arith.constant 16 : i32
        %mul3A_86 = arith.muli %scan3A_65, %mul3A_85 : i32
        %swap3A = arith.index_cast %mul3A_86 : i32 to index
        %swap3A_87 = tpu.vector_load %arg7[%swap3A] {strides = array<i32>} : memref<256xi32, #tpu.memory_space<vmem>>, vector<16xi32>,
        tpu.vector_store %arg7[%swap3A], %sub3A_84 {strides = array<i32>} : memref<256xi32, #tpu.memory_space<vmem>>, vector<16xi32>,
        %eq3A = arith.constant 262144 : i32
        %eq3A_88 = vector.broadcast %eq3A : i32 to vector<16xi32>
        %eq3A_89 = arith.cmpi eq, %add3A_83, %eq3A_88 : vector<16xi32>
        %jit3A = arith.constant 1 : i32
        %jit3A_90 = arith.constant 0 : i32
        %broadcast_in_dim3A_91 = vector.broadcast %jit3A : i32 to vector<16xi32>
        %broadcast_in_dim3A_92 = vector.broadcast %jit3A_90 : i32 to vector<16xi32>
        %select_n3A = arith.select %eq3A_89, %broadcast_in_dim3A_91, %broadcast_in_dim3A_92 : vector<16xi1>, vector<16xi32>
        %add3A_93 = arith.addi %scan3A_67, %select_n3A : vector<16xi32>
        %reduce_max3A = arith.constant true
        %reduce_max3A_94 = vector.broadcast %reduce_max3A : i1 to vector<16xi1>
        %reduce_max3A_95 = arith.constant -2147483648 : i32
        %reduce_max3A_96 = vector.broadcast %reduce_max3A_95 : i32 to vector<16xi32>
        %reduce_max3A_97 = arith.xori %add3A_83, %reduce_max3A_96 : vector<16xi32>
        %reduce_max3A_98 = tpu.scan <max>, %reduce_max3A_97 masked %reduce_max3A_94 : vector<16xi32>, vector<16xi1> -> vector<16xi32>
        %reduce_max3A_99 = arith.xori %reduce_max3A_98, %reduce_max3A_96 : vector<16xi32>
        %reduce_max3A_100 = vector.extract %reduce_max3A_99[15] : i32 from vector<16xi32>
        scf.yield %reduce_max3A_100, %add3A_93 : i32, vector<16xi32>
      }
      %scan3A_37 = arith.constant 16 : i32
      %reduce_sum3A = arith.constant true
      %reduce_sum3A_38 = vector.broadcast %reduce_sum3A : i1 to vector<16xi1>
      %reduce_sum3A_39 = tpu.scan <sum>, %scan3A_36#1 masked %reduce_sum3A_38 : vector<16xi32>, vector<16xi1> -> vector<16xi32>
      %reduce_sum3A_40 = vector.extract %reduce_sum3A_39[15] : i32 from vector<16xi32>
      %sub3A = arith.constant 256 : i32
      %sub3A_41 = arith.subi %sub3A, %reduce_sum3A_40 : i32
      %broadcast_in_dim3A_42 = vector.broadcast %sub3A_41 : i32 to vector<16xi32>
      %gather3A = tpu.vector_load_idx %arg7[%broadcast_in_dim3A_42] : memref<256xi32, #tpu.memory_space<vmem>>[vector<16xi32>], vector<16xi32>,
      %div3A = arith.constant 255 : i32
      %div3A_43 = vector.broadcast %div3A : i32 to vector<16xi32>
      %div3A_44 = arith.divsi %gather3A, %div3A_43 : vector<16xi32>
      %max3A = arith.constant 1 : i32
      %max3A_45 = vector.broadcast %max3A : i32 to vector<16xi32>
      %max3A_46 = arith.maxsi %div3A_44, %max3A_45 : vector<16xi32>
      %div3A_47 = arith.constant 2 : i32
      %div3A_48 = vector.broadcast %div3A_47 : i32 to vector<16xi32>
      %div3A_49 = arith.divsi %div3A_44, %div3A_48 : vector<16xi32>
      %scan3A_50 = arith.constant 0 : i32
      %scan3A_51 = arith.constant 0 : i32
      %scan3A_52 = arith.constant 16 : i32
      %scan3A_53 = arith.addi %scan3A_51, %scan3A_52 : i32
      %scan3A_54 = arith.constant 1 : i32
      %scan3A_55 = scf.for %scan3A_65 = %scan3A_51 to %scan3A_53 step %scan3A_54 iter_args(%scan3A_66 = %scan3A_50) -> (i32)  : i32 {
        %mul3A_67 = arith.constant 16 : i32
        %mul3A_68 = arith.muli %scan3A_65, %mul3A_67 : i32
        %get3A = arith.index_cast %mul3A_68 : i32 to index
        %get3A_69 = tpu.vector_load %arg7[%get3A] {strides = array<i32>} : memref<256xi32, #tpu.memory_space<vmem>>, vector<16xi32>,
        %add3A_70 = arith.addi %get3A_69, %div3A_49 : vector<16xi32>
        %div3A_71 = arith.divsi %add3A_70, %max3A_46 : vector<16xi32>
        %jit3A = arith.constant 0 : i32
        %jit3A_72 = arith.constant 255 : i32
        %max3A_73 = vector.broadcast %jit3A : i32 to vector<16xi32>
        %max3A_74 = arith.maxsi %max3A_73, %div3A_71 : vector<16xi32>
        %min3A = vector.broadcast %jit3A_72 : i32 to vector<16xi32>
        %min3A_75 = arith.minsi %min3A, %max3A_74 : vector<16xi32>
        %mul3A_76 = arith.constant 16 : i32
        %mul3A_77 = arith.muli %scan3A_65, %mul3A_76 : i32
        %add3A_78 = vector.broadcast %mul3A_77 : i32 to vector<16xi32>
        %add3A_79 = arith.addi %add3A_78, %iota3A : vector<16xi32>
        %eq3A = arith.constant 0 : i32
        %eq3A_80 = vector.broadcast %eq3A : i32 to vector<16xi32>
        %eq3A_81 = arith.cmpi eq, %div3A_44, %eq3A_80 : vector<16xi32>
        %select_n3A = arith.select %eq3A_81, %add3A_79, %min3A_75 : vector<16xi1>, vector<16xi32>
        %convert_element_type3A = arith.sitofp %select_n3A : vector<16xi32> to vector<16xf32>
        %mul3A_82 = arith.constant 0.00392156886 : f32
        %mul3A_83 = vector.broadcast %mul3A_82 : f32 to vector<16xf32>
        %mul3A_84 = arith.mulf %convert_element_type3A, %mul3A_83 : vector<16xf32>
        %mul3A_85 = arith.constant 16 : i32
        %mul3A_86 = arith.muli %scan3A_65, %mul3A_85 : i32
        %swap3A = arith.index_cast %mul3A_86 : i32 to index
        %swap3A_87 = tpu.vector_load %arg8[%swap3A] {strides = array<i32>} : memref<256xf32, #tpu.memory_space<vmem>>, vector<16xf32>,
        tpu.vector_store %arg8[%swap3A], %mul3A_84 {strides = array<i32>} : memref<256xf32, #tpu.memory_space<vmem>>, vector<16xf32>,
        %scan3A_88 = arith.constant 0 : i32
        scf.yield %scan3A_88 : i32
      }
      %scan3A_56 = arith.constant 16 : i32
      %scan3A_57 = arith.constant 0 : i32
      %scan3A_58 = arith.constant 0 : i32
      %scan3A_59 = arith.constant 16 : i32
      %scan3A_60 = arith.addi %scan3A_58, %scan3A_59 : i32
      %scan3A_61 = arith.constant 1 : i32
      %scan3A_62 = scf.for %scan3A_65 = %scan3A_58 to %scan3A_60 step %scan3A_61 iter_args(%scan3A_66 = %scan3A_57) -> (i32)  : i32 {
        %mul3A_67 = arith.constant 16384 : i32
        %mul3A_68 = arith.muli %scan3A_65, %mul3A_67 : i32
        %add3A_69 = arith.addi %mul3A_14, %mul3A_68 : i32
        "tpu.region"() ({
          %run_scoped3A = tpu.sem_alloc : memref<!tpu.dma_semaphore, #tpu.memory_space<semaphore_mem>>
          %dma_start3A = tpu.memref_slice %arg2[%add3A_69] : memref<25165824xf32, #tpu.memory_space<hbm>> -> memref<16384xf32, #tpu.memory_space<hbm>>
          %dma_start3A_81 = tpu.memref_slice %arg2[%add3A_69] : memref<25165824xf32, #tpu.memory_space<hbm>> -> memref<16384xf32, #tpu.memory_space<hbm>>
          tpu.enqueue_dma source(%dma_start3A_81 : memref<16384xf32, #tpu.memory_space<hbm>>) target(%arg4 : memref<16384xf32, #tpu.memory_space<vmem>>) target_semaphore(%run_scoped3A : memref<!tpu.dma_semaphore, #tpu.memory_space<semaphore_mem>>)
          %dma_wait3A = tpu.memref_slice %arg2[%add3A_69] : memref<25165824xf32, #tpu.memory_space<hbm>> -> memref<16384xf32, #tpu.memory_space<hbm>>
          %dma_wait3A_82 = tpu.memref_slice %arg2[%add3A_69] : memref<25165824xf32, #tpu.memory_space<hbm>> -> memref<16384xf32, #tpu.memory_space<hbm>>
          tpu.wait_dma2 semaphore(%run_scoped3A : memref<!tpu.dma_semaphore, #tpu.memory_space<semaphore_mem>>) src(%dma_wait3A_82 : memref<16384xf32, #tpu.memory_space<hbm>>) dst(%arg4 : memref<16384xf32, #tpu.memory_space<vmem>>)
          tpu.yield
        }) : () -> ()
        %scan3A_70 = arith.constant 0 : i32
        %scan3A_71 = arith.constant 0 : i32
        %scan3A_72 = arith.constant 1024 : i32
        %scan3A_73 = arith.addi %scan3A_71, %scan3A_72 : i32
        %scan3A_74 = arith.constant 1 : i32
        %scan3A_75 = scf.for %scan3A_81 = %scan3A_71 to %scan3A_73 step %scan3A_74 iter_args(%scan3A_82 = %scan3A_70) -> (i32)  : i32 {
          %mul3A_83 = arith.constant 16 : i32
          %mul3A_84 = arith.muli %scan3A_81, %mul3A_83 : i32
          %get3A = arith.index_cast %mul3A_84 : i32 to index
          %get3A_85 = tpu.vector_load %arg4[%get3A] {strides = array<i32>} : memref<16384xf32, #tpu.memory_space<vmem>>, vector<16xf32>,
          %mul3A_86 = arith.constant 2.560000e+02 : f32
          %mul3A_87 = vector.broadcast %mul3A_86 : f32 to vector<16xf32>
          %mul3A_88 = arith.mulf %get3A_85, %mul3A_87 : vector<16xf32>
          %convert_element_type3A = arith.fptosi %mul3A_88 : vector<16xf32> to vector<16xi32>
          %jit3A = arith.constant 0 : i32
          %jit3A_89 = arith.constant 255 : i32
          %max3A_90 = vector.broadcast %jit3A : i32 to vector<16xi32>
          %max3A_91 = arith.maxsi %max3A_90, %convert_element_type3A : vector<16xi32>
          %min3A = vector.broadcast %jit3A_89 : i32 to vector<16xi32>
          %min3A_92 = arith.minsi %min3A, %max3A_91 : vector<16xi32>
          %gather3A_93 = tpu.vector_load_idx %arg8[%min3A_92] : memref<256xf32, #tpu.memory_space<vmem>>[vector<16xi32>], vector<16xf32>,
          %mul3A_94 = arith.constant 16 : i32
          %mul3A_95 = arith.muli %scan3A_81, %mul3A_94 : i32
          %swap3A = arith.index_cast %mul3A_95 : i32 to index
          %swap3A_96 = tpu.vector_load %arg5[%swap3A] {strides = array<i32>} : memref<16384xf32, #tpu.memory_space<vmem>>, vector<16xf32>,
          tpu.vector_store %arg5[%swap3A], %gather3A_93 {strides = array<i32>} : memref<16384xf32, #tpu.memory_space<vmem>>, vector<16xf32>,
          %scan3A_97 = arith.constant 0 : i32
          scf.yield %scan3A_97 : i32
        }
        %scan3A_76 = arith.constant 1024 : i32
        %mul3A_77 = arith.constant 16384 : i32
        %mul3A_78 = arith.muli %scan3A_65, %mul3A_77 : i32
        %add3A_79 = arith.addi %mul3A_14, %mul3A_78 : i32
        "tpu.region"() ({
          %run_scoped3A = tpu.sem_alloc : memref<!tpu.dma_semaphore, #tpu.memory_space<semaphore_mem>>
          %dma_start3A = tpu.memref_slice %arg3[%add3A_79] : memref<25165824xf32, #tpu.memory_space<hbm>> -> memref<16384xf32, #tpu.memory_space<hbm>>
          %dma_start3A_81 = tpu.memref_slice %arg3[%add3A_79] : memref<25165824xf32, #tpu.memory_space<hbm>> -> memref<16384xf32, #tpu.memory_space<hbm>>
          tpu.enqueue_dma source(%arg5 : memref<16384xf32, #tpu.memory_space<vmem>>) target(%dma_start3A_81 : memref<16384xf32, #tpu.memory_space<hbm>>) target_semaphore(%run_scoped3A : memref<!tpu.dma_semaphore, #tpu.memory_space<semaphore_mem>>)
          %dma_wait3A = tpu.memref_slice %arg3[%add3A_79] : memref<25165824xf32, #tpu.memory_space<hbm>> -> memref<16384xf32, #tpu.memory_space<hbm>>
          %dma_wait3A_82 = tpu.memref_slice %arg3[%add3A_79] : memref<25165824xf32, #tpu.memory_space<hbm>> -> memref<16384xf32, #tpu.memory_space<hbm>>
          tpu.wait_dma2 semaphore(%run_scoped3A : memref<!tpu.dma_semaphore, #tpu.memory_space<semaphore_mem>>) src(%arg5 : memref<16384xf32, #tpu.memory_space<vmem>>) dst(%dma_wait3A_82 : memref<16384xf32, #tpu.memory_space<hbm>>)
          tpu.yield
        }) : () -> ()
        %scan3A_80 = arith.constant 0 : i32
        scf.yield %scan3A_80 : i32
      }
      %scan3A_63 = arith.constant 16 : i32
      %scan3A_64 = arith.constant 0 : i32
      scf.yield %scan3A_64 : i32
    }
    %scan3A_7 = arith.constant 3 : i32
    return
  }
}

</mosaic_0001>

<sc_bundles>
// kernel: kernel.3.cloned.1.call-start
scs
__scs_entry_jumppad:
0x0: {  	(pc) =	sbr.rel $0x88, $3  }
0x1: {  	(tag) =	ssettag $0x0;
	lr =	simm.s32 $0x1  }
0x2: {  	[smem:$0x3F9F] =	sst lr;
	_ =	strace $0xD0000000  }
0x3: {  	_ = 	snop  }
0x4: {  	_ = 	snop  }
0x5: {  	_ = 	snop  }
0x6: {  	_ = 	snop  }
0x7: {  	_ = 	snop  }
__scs_overlays_trampoline_lowered:
0x8: {  	[smem:$0x3FAE] =	sst s0  }
0x9: {  	[smem:$0x3FAF] =	sst s1  }
0xa: {  	[smem:$0x3FB0] =	sst s2  }
0xb: {  	[smem:$0x3FB1] =	sst s3  }
0xc: {  	[smem:$0x3FB2] =	sst s4  }
0xd: {  	[smem:$0x3FB3] =	sst s5  }
0xe: {  	[smem:$0x3FB4] =	sst s6  }
0xf: {  	[smem:$0x3FB5] =	sst s7  }
0x10: {  	[smem:$0x3FB6] =	sst s8  }
0x11: {  	[smem:$0x3FB7] =	sst s9;
	s0 =	simm.s32 @!p0 $0x0  }
0x12: {  	s1 =	sld [smem:$0x3F9D];
	s0 =	simm.s32 @p0 $0x1  }
0x13: {  	[smem:$0x3FB8] =	sst s0;
	s0 =	simm.s32 @!p1 $0x0  }
0x14: {  	s2 =	sld [smem:$0x3F9C];
	s0 =	simm.s32 @p1 $0x1  }
0x15: {  	[smem:$0x3FB9] =	sst s0;
	s0 =	simm.s32 @!p2 $0x0  }
0x16: {  	s3 =	sld [smem:$0x3FDB];
	s0 =	simm.s32 @p2 $0x1  }
0x17: {  	s4 =	simm.s32 $0x1BF5;
	[smem:$0x3FBB] =	sst s0  }
0x18: {  	s0 =	sld [smem:$0x3F9E];
	_ =	swait.ge [sflag:s4], $0x0  }
0x19: {  	s7 =	sld [smem:$0x3F9F]  }
0x1a: {  	s8 =	sadd.s32 $0xFFFFE003, lr  }
0x1b: {  	s9 =	sadd.s32 $0xFFFFFEF7, lr;
	s5 =	simm.s32 $0xFFFFFFFF;
	p2 =	slt.u32 s8, $0xFFFFF086  }
0x1c: {  	p1 =	slt.u32 s9, $0xF7A;
	s5 =	simm.s32 @!p2 $0x0  }
0x1d: {  	s5 =	simm.s32 @p1 $0x1;
	p0 =	seq.s32 s7, s2  }
0x1e: {  	s7 =	smul.u32 @!p0 $0xF7A, s2;
	p2 =	seq.s32 @!p0 s5, $0x0  }
0x1f: {  	s9 =	smul.u32 $0xF7A, s1;
	s8 =	simm.s32 @!p0 $0x1BF5;
	p2 =	por !p2, p0  }
0x20: {  	[sflag:s8] =	ssyncset.s32 @!p0 $0xFFFFF086;
	s6 =	sadd.s32 @!p0 s3, s7;
	s7 =	simm.s32 @!p0 $0x108  }
0x21: {  	s3 =	sadd.s32 s3, s9;
	s6 =	sadd.s32 @!p0 $0x88, s6;
	s7 =	simm.s32 @p2 $0x1082  }
0x22: {  	[simem:s7], [sflag:s8] =	dma.local @!p0 [hbm:s6], $0xF7A  }
0x23: {  	s9 =	sor.u32 $0xD0000000, s2;
	s6 =	simm.s32 $0x108;
	_ =	swait.ge @!p0 [sflag:s8], $0x0  }
0x24: {  	s3 =	sadd.s32 $0x88, s3;
	s6 =	simm.s32 @!p1 $0x1082;
	[sflag:s4] =	ssyncset.s32 $0xFFFFF086  }
0x25: {  	[simem:s6], [sflag:s4] =	dma.local [hbm:s3], $0xF7A  }
0x26: {  	[smem:$0x3F9F] =	sst s1;
	(tag) =	ssettag s2;
	_ =	strace s9  }
0x27: {  	s1 =	sld [smem:$0x3FAF]  }
0x28: {  	s2 =	sld [smem:$0x3FB0]  }
0x29: {  	s4 =	sld [smem:$0x3FB2]  }
0x2a: {  	p0 =	seq.s32 s5, $0x0;
	s5 =	sld [smem:$0x3FB3]  }
0x2b: {  	s6 =	sld [smem:$0x3FB4]  }
0x2c: {  	s7 =	sld [smem:$0x3FB5]  }
0x2d: {  	s3 =	simm.s32 $0x108;
	s8 =	sld [smem:$0x3FB6]  }
0x2e: {  	s3 =	simm.s32 @!p0 $0x1082;
	s9 =	sld [smem:$0x3FB7]  }
0x2f: {  	lr =	sadd.s32 s0, s3;
	s0 =	sld [smem:$0x3FAE]  }
0x30: {  	s3 =	sld [smem:$0x3FB1]  }
0x31: {  	[smem:$0x3FBA] =	sst s10  }
0x32: {  	s10 =	sld [smem:$0x3FB8];
	_ =	sdelay $0x3  }
0x33: {  	p0 =	seq.s32 s10, $0x1;
	s10 =	sld [smem:$0x3FBA];
	_ =	sdelay $0x3  }
0x34: {  	[smem:$0x3FBA] =	sst s10  }
0x35: {  	s10 =	sld [smem:$0x3FB9];
	_ =	sdelay $0x3  }
0x36: {  	p1 =	seq.s32 s10, $0x1;
	s10 =	sld [smem:$0x3FBA];
	_ =	sdelay $0x3  }
0x37: {  	[smem:$0x3FBA] =	sst s10  }
0x38: {  	s10 =	sld [smem:$0x3FBB]  }
0x39: {  	_ = 	snop;
	(pc) =	sbr.ind lr, $3  }
0x3a: {  	_ = 	snop  }
0x3b: {  	_ = 	snop  }
0x3c: {  	p2 =	seq.s32 s10, $0x1;
	s10 =	sld [smem:$0x3FBA]  }
0x3d: {  	_ =	shalt  }
0x3e: {  	_ =	shalt  }
0x3f: {  	_ =	shalt  }
0x40: {  	_ =	shalt  }
0x41: {  	_ =	shalt  }
0x42: {  	_ =	shalt  }
0x43: {  	_ =	shalt  }
0x44: {  	_ =	shalt  }
0x45: {  	_ =	shalt  }
0x46: {  	_ =	shalt  }
0x47: {  	_ =	shalt  }
0x48: {  	_ =	shalt  }
0x49: {  	_ =	shalt  }
0x4a: {  	_ =	shalt  }
0x4b: {  	_ =	shalt  }
0x4c: {  	_ =	shalt  }
0x4d: {  	_ =	shalt  }
0x4e: {  	_ =	shalt  }
0x4f: {  	_ =	shalt  }
0x50: {  	_ =	shalt  }
0x51: {  	_ =	shalt  }
0x52: {  	_ =	shalt  }
0x53: {  	_ =	shalt  }
0x54: {  	_ =	shalt  }
0x55: {  	_ =	shalt  }
0x56: {  	_ =	shalt  }
0x57: {  	_ =	shalt  }
0x58: {  	_ =	shalt  }
0x59: {  	_ =	shalt  }
0x5a: {  	_ =	shalt  }
0x5b: {  	_ =	shalt  }
0x5c: {  	_ =	shalt  }
0x5d: {  	_ =	shalt  }
0x5e: {  	_ =	shalt  }
0x5f: {  	_ =	shalt  }
0x60: {  	_ =	shalt  }
0x61: {  	_ =	shalt  }
0x62: {  	_ =	shalt  }
0x63: {  	_ =	shalt  }
0x64: {  	_ =	shalt  }
0x65: {  	_ =	shalt  }
0x66: {  	_ =	shalt  }
0x67: {  	_ =	shalt  }
0x68: {  	_ =	shalt  }
0x69: {  	_ =	shalt  }
0x6a: {  	_ =	shalt  }
0x6b: {  	_ =	shalt  }
0x6c: {  	_ =	shalt  }
0x6d: {  	_ =	shalt  }
0x6e: {  	_ =	shalt  }
0x6f: {  	_ =	shalt  }
0x70: {  	_ =	shalt  }
0x71: {  	_ =	shalt  }
0x72: {  	_ =	shalt  }
0x73: {  	_ =	shalt  }
0x74: {  	_ =	shalt  }
0x75: {  	_ =	shalt  }
0x76: {  	_ =	shalt  }
0x77: {  	_ =	shalt  }
0x78: {  	_ =	shalt  }
0x79: {  	_ =	shalt  }
0x7a: {  	_ =	shalt  }
0x7b: {  	_ =	shalt  }
0x7c: {  	_ =	shalt  }
0x7d: {  	_ =	shalt  }
0x7e: {  	_ =	shalt  }
0x7f: {  	_ =	shalt  }
0x80: {  	_ =	shalt  }
0x81: {  	_ =	shalt  }
0x82: {  	_ =	shalt  }
0x83: {  	_ =	shalt  }
0x84: {  	_ =	shalt  }
0x85: {  	_ =	shalt  }
0x86: {  	_ =	shalt  }
0x87: {  	_ =	shalt  }
.Lfunc_end0:
.L_simem_size_0:
called_computation.1_lowered:
.L_overlay_start_0:
0x88: {  	s2 =	sld [smem:$0x3FD9]  }
0x89: {  	s3 =	sld [smem:$0x3FFE];
	_ =	sdelay $0x1  }
0x8a: {  	s1 =	srdreg.scid  }
0x8b: {  	s0 =	sand.u32 $0x1, s1  }
0x8c: {  	s14 =	sshll.u32 s0, $0xA;
	s2 =	sadd.s32 s3, s2  }
0x8d: {  	s2 =	sadd.s32 s2, s14  }
0x8e: {  	[smem:$0x3FC6] =	sst s2  }
0x8f: {  	_ = 	snop  }
0x90: {  	s2 =	sld [smem:$0x3FD0];
	_ =	sdelay $0x2  }
0x91: {  	s15 =	simm.s32 $0xA;
	s4 =	simm.s32 $0x10  }
0x92: {  	[smem:s4], [sflag:s15] =	dma.local [hbm:s2], $0x1  }
0x93: {  	_ =	swait.eq [sflag:s15], $0x1  }
0x94: {  	[sflag:s15] =	ssyncset.done $0x0  }
0x95: {  	[sflag:s15] =	ssyncadd.s32 $0xFFFFFFFF  }
0x96: {  	s16 =	sld [smem:$0x10];
	(tm) =	ssettm $0x1  }
0x97: {  	s17 =	sld [smem:$0x3FFB];
	_ =	sdelay $0x3  }
0x98: {  	_ =	strace s17  }
0x99: {  	s3 =	sld [smem:$0x3FFC];
	_ =	sdelay $0x3  }
0x9a: {  	_ =	strace s3  }
0x9b: {  	s3 =	sld [smem:$0x3FFD];
	_ =	sdelay $0x3  }
0x9c: {  	_ =	strace s3  }
0x9d: {  	_ =	strace $0x8FFFFFFF  }
0x9e: {  	s18 =	sld [smem:$0x3FDB];
	_ =	sdelay $0x1  }
0x9f: {  	s19 =	simm.s32 $_scs_section_size  }
0xa0: {  	s5 =	simm.s32 $_size__tile_overlayer_lowered;
	s6 =	simm.s32 $_tile_overlayer_lowered  }
0xa1: {  	s22 =	simm.s32 $0x1BFF;
	s21 =	sshll.u32 s6, $0x1;
	s3 =	sadd.s32 s19, s18  }
0xa2: {  	s7 =	simm.s32 $0x0;
	s20 =	sshll.u32 s5, $0x1;
	s5 =	sadd.s32 s21, s3  }
0xa3: {  	[timem:s7], [sflag:s22] =	dma.local [hbm:s5], s20  }
0xa4: {  	_ =	swait.ge [sflag:s22], s20  }
0xa5: {  	s4 =	ssub.s32 $0x0, s20;
	[sflag:s22] =	ssyncset.done $0x0  }
0xa6: {  	[sflag:s22] =	ssyncadd.s32 s4;
	_ =	sdelay $0x1  }
0xa7: {  	s23 =	simm.s32 $0x1B8B  }
0xa8: {  	_ =	swait.ge [sflag:s23], $0x1  }
0xa9: {  	[sflag:s23] =	ssyncset.done $0x0  }
0xaa: {  	s25 =	simm.s32 $0x1B8E;
	s24 =	sld [smem:$0x3FFE];
	[sflag:s23] =	ssyncadd.s32 $0xFFFFFFFF  }
0xab: {  	s26 =	simm.s32 $execute0_lowered;
	[smem:$0x3FD2] =	sst s25  }
0xac: {  	s5 =	sshll.u32 s26, $0x1;
	_ =	strace $0x80000049;
	[dreg:$0x1] =	wrdreg $0xFFFFFFFF  }
0xad: {  	s28 =	simm.s32 $_size_execute0_lowered;
	s3 =	sadd.s32 s3, s5;
	[dreg:$0x0] =	wrdreg $0x0  }
0xae: {  	s5 =	sshll.u32 s28, $0x1;
	[dreg:$0x2] =	wrdreg s3  }
0xaf: {  	[dreg:$0x3] =	wrdreg s5  }
0xb0: {  	[dreg:$0x4] =	wrdreg $0xC0  }
0xb1: {  	_ =	task [dreg:s7], $0x5FFFF  }
0xb2: {  	[dreg:$0x1] =	wrdreg $0xFFFFFFFF  }
0xb3: {  	[dreg:$0x0] =	wrdreg $0x60  }
0xb4: {  	[dreg:$0x2] =	wrdreg s16  }
0xb5: {  	[dreg:$0x3] =	wrdreg s24  }
0xb6: {  	[dreg:$0x4] =	wrdreg $0x9  }
0xb7: {  	_ =	task.clear_ibuf [dreg:s7], $0x5FFFF;
	_ =	strace $0x90000049  }
0xb8: {  	s29 =	simm.s32 $0x9;
	_ =	strace $0x8000004B  }
0xb9: {  	_ =	swait.ge [sflag:s29], $0x1  }
0xba: {  	[sflag:s29] =	ssyncadd.s32 $0xFFFFFFFF  }
0xbb: {  	_ =	strace $0x9000004B  }
0xbc: {  	_ =	sfence  }
0xbd: {  	s30 =	sld [smem:$0x0];
	_ =	sdelay $0x2  }
0xbe: {  	s31 =	sshll.u32 s1, $0xD;
	s1 =	sshrl.u32 s1, $0x2  }
0xbf: {  	s3 =	sand.u32 $0x4000, s31;
	s1 =	sadd.s32 s1, s30  }
0xc0: {  	s0 =	sor.u32 s3, s0;
	s1 =	sshll.u32 s1, $0x11  }
0xc1: {  	s0 =	sor.u32 s1, s0  }
0xc2: {  	s0 =	sadd.s32 $0x8F2B, s0  }
0xc3: {  	[sflag:s0] =	ssyncadd.remote.s32 $0x1  }
0xc4: {  	_ =	sfence.sel $0xFFFF  }
0xc5: {  	[dreg:$0x0] =	wrdreg $0xFFFFFFFF;
	(pc) =	sbr.abs _section_cstart, $3  }
0xc6: {  	[dreg:$0x1] =	wrdreg $0xFFFFFFFF  }
0xc7: {  	_ =	task.clear_ibuf [dreg:s7], $0x2FFFF;
	_ =	strace $0x9FFFFFFF  }
0xc8: {  	(tm) =	ssettm $0x7FFFFFFF  }
0xc9: {  	_ =	shalt  }
tec
execute0_lowered:
.L_overlay_start_1:
0x0: {  	(tag) =	ssettag $0x1  }
0x1: {  	s6 =	rddreg [dreg:$0x0]  }
0x2: {  	s0 =	rddreg [dreg:$0x1];
	v0 =	vimm.s32 $0x0;
	v1 =	vlaneseq.u32;
	v4 =	vimm.s32 $0xECA86420  }
0x3: {  	s1 =	srdreg.scid;
	v2 =	vimm.s32 $0x1;
	s3 =	stileid.u32;
	vm0 =	vcmask $0xB08;
	vm1 =	vcmask $0x1310  }
0x4: {  	s2 =	simm.s32 $0x0;
	vm5 =	vcmask $0x1B18;
	vm3 =	vcmask $0x300;
	vm4 =	vcmask $0x2320;
	s1 =	sand.u32 $0x1, s1;
	s3 =	sshll.u32 s3, $0x1  }
0x5: {  	vm2 =	vcmask $0x2B28;
	vm9 =	vcmask $0x3330;
	vm7 =	vcmask $0x3B38;
	[smem:$0x7FF] =	sst s2;
	s30 =	ssub.s32 $0x2, s1;
	s1 =	sor.u32 s1, s3  }
0x6: {  	vm6 =	vmmov $0xff;
	v6 =	vimm.s32 $0x0;
	vm11 =	vcmask $0xF0C;
	s8 =	sadd.s32 $0xA00, s0;
	s4 =	sshrl.u32 s30, $0x1;
	s1 =	smul.u32 $0x3, s1  }
0x7: {  	vm12 =	vcmask $0x1714;
	vm13 =	vcmask $0x1F1C;
	v4 =	vunpack.c.l.s4.s8 v4;
	_ =	strace $0x8000004A;
	[smem:$0x7FD] =	sst s8;
	s31 =	ssub.s32 s30, s4  }
0x8: {  	s9 =	simm.s32 $0x1;
	vm14 =	vcmask $0x2724;
	vm15 =	vcmask $0x2F2C;
	v6 =	vsel vm6, $0xFFFFFFFF, v6;
	[smem:$0x7FB] =	sst s1;
	s0 =	smax.u32 s31, $0x1  }
0x9: {  	s5 =	simm.s32 $0x8000;
	v3 =	vmul.u32 $0x10, v1;
	v5 =	vmul.u32 $0x2, v1;
	[tilespmem:$0x1FFF0] =	vst v6;
	v4 =	vunpack.c.0.s8.s32 v4;
	s1 =	simm.s32 $0x0;
	[smem:$0x7FC] =	sst s0  }
.LBB2_1:
0xa: {  	[smem:$0x7FA] =	sst s1;
	s2 =	simm.s32 $0x0  }
.LBB2_2:
0xb: {  	s0 =	simm.s32 $0x40;
	s1 =	simm.s32 $0x0  }
.LBB2_3:
0xc: {  	p0 =	sne.s32 s0, $0x3FC0;
	[tilespmem:s1+$0x8000] =	vst v0;
	s1 =	smov.u32 s0;
	s0 =	sadd.s32 $0x40, s0  }
.Ltmp0:
0xd: {  	(pc) =	sbr.rel @p0 .LBB2_3-.Ltmp0, $2  }
0xe: {  	_ =	sdelay $0x2  }
0xf: {  	s1 =	sshra.s32 s1, $0x2  }
0x10: {  	s0 =	sld [smem:$0x7FB];
	_ =	sdelay $0x2  }
0x11: {  	[smem:$0x7F9] =	sst s2;
	s0 =	sadd.s32 s0, s2  }
0x12: {  	[tilespmem:s1+$0x8000] =	vst v0;
	s1 =	simm.s32 $0x0;
	s7 =	sshll.u32 s0, $0x12;
	s0 =	simm.s32 $0x0  }
.LBB2_5:
0x13: {  	s2 =	sshll.u32 s1, $0xE  }
0x14: {  	s2 =	sadd.s32 s7, s2  }
0x15: {  	s2 =	sshrl.u32 s2, $0x3  }
0x16: {  	s2 =	sadd.s32 s6, s2  }
0x17: {  	[tilespmem:s0], [sflag:$0x1] =	stream.linear.gather [hbm4b:s2+s0], $0x4000, $0x38;
	[tilespmem:$0x9200] =	vst v63  }
0x18: {  	_ =	swait.ge [sflag:s9], $0x4000  }
0x19: {  	[sflag:s9] =	ssyncset.done $0x0  }
0x1a: {  	s3 =	simm.s32 $0x0;
	s2 =	simm.s32 $0x40;
	[sflag:s9] =	ssyncadd.s32 $0xFFFFC000  }
.LBB2_6:
0x1b: {  	p0 =	sne.s32 s2, $0xFFC0;
	v6 =	vld [tilespmem:s3+$0x0];
	_ =	sdelay $0x4  }
0x1c: {  	v6 =	vmul.f32 $2.560000000e+02, v6;
	_ =	sdelay $0x1  }
0x1d: {  	v6 =	vtrunc.f32 v6  }
0x1e: {  	v6 =	vcvt.f32.s32 v6;
	_ =	sdelay $0x1  }
0x1f: {  	vm8 =	vgt.s32 v6, $0x0  }
0x20: {  	v6 =	vnsel vm8, $0x0, v6  }
0x21: {  	v6 =	vmin.u32 v6, $0xFF  }
0x22: {  	v6 =	vshll.u32 v6, $0x4  }
0x23: {  	v6 =	vor.u32 v1, v6  }
.Ltmp1:
0x24: {  	(pc) =	sbr.rel @p0 .LBB2_6-.Ltmp1, $2  }
0x25: {  	_ =	sdelay $0x2  }
0x26: {  	s3 =	sshra.s32 s2, $0x2;
	s2 =	sadd.s32 $0x40, s2;
	[tilespmem:v6+s5+$0x0] =	vst.idx.add.s32.msk $0xffff, v2  }
0x27: {  	v6 =	vld [tilespmem:s3+$0x0];
	_ =	sdelay $0x4  }
0x28: {  	v6 =	vmul.f32 $2.560000000e+02, v6;
	_ =	sdelay $0x1  }
0x29: {  	v6 =	vtrunc.f32 v6  }
0x2a: {  	v6 =	vcvt.f32.s32 v6;
	_ =	sdelay $0x1  }
0x2b: {  	vm8 =	vgt.s32 v6, $0x0  }
0x2c: {  	v6 =	vnsel vm8, $0x0, v6  }
0x2d: {  	v6 =	vmin.u32 v6, $0xFF  }
0x2e: {  	s1 =	sadd.s32 $0x1, s1;
	v6 =	vshll.u32 v6, $0x4  }
0x2f: {  	p0 =	sne.s32 s1, $0x10;
	v6 =	vor.u32 v1, v6  }
.Ltmp2:
0x30: {  	_ = 	snop;
	(pc) =	sbr.rel @p0 .LBB2_5-.Ltmp2, $2  }
0x31: {  	_ =	sdelay $0x2  }
0x32: {  	s2 =	simm.s32 $0x0;
	[tilespmem:v6+s5+$0x0] =	vst.idx.add.s32.msk $0xffff, v2;
	v6 =	vimm.s32 $0x0  }
0x33: {  	s3 =	simm.s32 $0x0;
	s0 =	simm.s32 $0x0  }
.LBB2_9:
0x34: {  	s1 =	sshll.u32 s0, $0x4  }
0x35: {  	v7 =	vmov s1  }
0x36: {  	v8 =	vadd.s32 s2, v1;
	v7 =	vshll.u32 v7, $0x4  }
0x37: {  	v8 =	vand.u32 $0xF, v8;
	v7 =	vor.u32 v3, v7  }
0x38: {  	v8 =	vor.u32 v7, v8;
	_ =	sdelay $0x1  }
0x39: {  	s4 =	simm.s32 $0x1  }
0x3a: {  	v9 =	vadd.s32 s4, v1  }
0x3b: {  	v9 =	vand.u32 $0xF, v9  }
0x3c: {  	s4 =	simm.s32 $0x2;
	v10 =	vor.u32 v7, v9;
	v9 =	vimm.s32 $0x0;
	v8 =	vld.idx.msk [tilespmem:v8+s5+$0x0], $0xffff  }
.LBB2_10:
0x3d: {  	p0 =	sne.s32 s4, $0xF  }
.Ltmp3:
0x3e: {  	_ = 	snop;
	(pc) =	sbr.rel @p0 .LBB2_10-.Ltmp3, $4  }
0x3f: {  	_ = 	snop  }
0x40: {  	v11 =	vadd.s32 s4, v1;
	s4 =	sadd.s32 $0x1, s4  }
0x41: {  	v11 =	vand.u32 $0xF, v11;
	v9 =	vadd.s32 v9, v8;
	v8 =	vld.idx.msk [tilespmem:v10+s5+$0x0], $0xffff  }
0x42: {  	v10 =	vor.u32 v7, v11  }
0x43: {  	_ =	sdelay $0x3  }
0x44: {  	v7 =	vld.idx.msk [tilespmem:v10+s5+$0x0], $0xffff;
	_ =	sdelay $0x3  }
0x45: {  	v8 =	vadd.s32 v9, v8  }
0x46: {  	v7 =	vadd.s32 v8, v7  }
0x47: {  	(xrf0) =	vadd.scan.msk.s32 $0xffff, v7;
	_ =	sdelay $0x5  }
0x48: {  	v8, _, _ =	vpop (xrf0)  }
0x49: {  	v8 =	vadd.s32 s3, v8  }
0x4a: {  	v63 =	vxor.u32 $0x80000000, v8  }
0x4b: {  	(xrf0) =	vmax.scan.msk.u32 $0xffff, v63;
	_ =	sdelay $0x5  }
0x4c: {  	v9, _, _ =	vpop (xrf0)  }
0x4d: {  	(v2sf) =	vpush v9, $0xF;
	_ =	sdelay $0x9  }
0x4e: {  	s0 =	sadd.s32 $0x1, s0  }
0x4f: {  	p0 =	sne.s32 s0, $0x10  }
.Ltmp4:
0x50: {  	_ = 	snop;
	(pc) =	sbr.rel @p0 .LBB2_9-.Ltmp4, $4  }
0x51: {  	_ = 	snop  }
0x52: {  	vm8 =	veq.s32 v8, $0x40000  }
0x53: {  	v7 =	vsub.s32 v8, v7;
	v8 =	vsel vm8, $0x1, v0;
	s31 =	spop (v2sf)  }
0x54: {  	[tilespmem:s1+$0x9000] =	vst v7;
	v6 =	vadd.s32 v8, v6;
	s3 =	sxor.u32 $0x80000000, s31  }
0x55: {  	(xrf0) =	vadd.scan.msk.s32 $0xffff, v6;
	_ =	sdelay $0x5  }
0x56: {  	v6, _, _ =	vpop (xrf0)  }
0x57: {  	(v2sf) =	vpush v6, $0xF;
	_ =	sdelay $0xe  }
0x58: {  	s0 =	spop (v2sf)  }
0x59: {  	s0 =	ssub.s32 $0x100, s0  }
0x5a: {  	v6 =	vmov s0;
	_ =	sdelay $0x3  }
0x5b: {  	s0 =	simm.s32 $0x9000  }
0x5c: {  	v8 =	vld.idx.msk [tilespmem:v6+s0+$0x0], $0xffff;
	_ =	sdelay $0x4  }
0x5d: {  	(v2sf) =	vpush v8, $0xD;
	_ =	sdelay $0x1  }
0x5e: {  	(v2sf) =	vpush v8, $0xC;
	_ =	sdelay $0x1  }
0x5f: {  	(v2sf) =	vpush v8, $0xE;
	_ =	sdelay $0x1  }
0x60: {  	(v2sf) =	vpush v8, $0xF;
	_ =	sdelay $0x1  }
0x61: {  	(v2sf) =	vpush v8, $0x9;
	_ =	sdelay $0x1  }
0x62: {  	(v2sf) =	vpush v8, $0x8;
	_ =	sdelay $0x1  }
0x63: {  	(v2sf) =	vpush v8, $0xA;
	_ =	sdelay $0x1  }
0x64: {  	(v2sf) =	vpush v8, $0xB  }
0x65: {  	s1 =	spop (v2sf)  }
0x66: {  	(v2sf) =	vpush v8, $0x1;
	s2 =	smulhi.u32 $0x80808081, s1;
	s3 =	sshra.s32 s1, $0x1F  }
0x67: {  	s4 =	spop (v2sf);
	s3 =	smul.u32 $0x80808081, s3  }
0x68: {  	[smem:$0x7EC] =	sst s7;
	(v2sf) =	vpush v8, $0x0;
	s5 =	smulhi.u32 $0x80808081, s4;
	s6 =	sshra.s32 s4, $0x1F  }
0x69: {  	s17 =	spop (v2sf);
	s6 =	smul.u32 $0x80808081, s6  }
0x6a: {  	(v2sf) =	vpush v8, $0x2;
	s1 =	ssub.s32 s2, s1;
	s18 =	smulhi.u32 $0x80808081, s17;
	s8 =	sshra.s32 s17, $0x1F  }
0x6b: {  	s20 =	spop (v2sf);
	s1 =	sadd.s32 s3, s1;
	s19 =	smul.u32 $0x80808081, s8  }
0x6c: {  	(v2sf) =	vpush v8, $0x3;
	s4 =	ssub.s32 s5, s4;
	s9 =	smulhi.u32 $0x80808081, s20;
	s10 =	sshra.s32 s20, $0x1F  }
0x6d: {  	s22 =	spop (v2sf);
	s5 =	sadd.s32 s6, s4;
	s21 =	smul.u32 $0x80808081, s10  }
0x6e: {  	(v2sf) =	vpush v8, $0x4;
	s2 =	ssub.s32 s18, s17;
	s23 =	smulhi.u32 $0x80808081, s22;
	s24 =	sshra.s32 s22, $0x1F  }
0x6f: {  	s11 =	spop (v2sf);
	s2 =	sadd.s32 s19, s2;
	s10 =	smul.u32 $0x80808081, s24  }
0x70: {  	(v2sf) =	vpush v8, $0x5;
	s25 =	ssub.s32 s9, s20;
	s26 =	smulhi.u32 $0x80808081, s11;
	s28 =	sshra.s32 s11, $0x1F  }
0x71: {  	s30 =	spop (v2sf);
	s3 =	sadd.s32 s21, s25;
	s29 =	smul.u32 $0x80808081, s28  }
0x72: {  	(v2sf) =	vpush v8, $0x6;
	s6 =	ssub.s32 s23, s22;
	s14 =	smulhi.u32 $0x80808081, s30;
	s12 =	sshra.s32 s30, $0x1F  }
0x73: {  	s16 =	spop (v2sf);
	s6 =	sadd.s32 s10, s6;
	s15 =	smul.u32 $0x80808081, s12  }
0x74: {  	(v2sf) =	vpush v8, $0x7;
	s8 =	ssub.s32 s26, s11;
	s17 =	smulhi.u32 $0x80808081, s16;
	s13 =	sshra.s32 s16, $0x1F  }
0x75: {  	s19 =	spop (v2sf);
	s4 =	sadd.s32 s29, s8;
	s18 =	smul.u32 $0x80808081, s13  }
0x76: {  	s7 =	ssub.s32 s14, s30;
	s20 =	smulhi.u32 $0x80808081, s19;
	s14 =	sshra.s32 s19, $0x1F  }
0x77: {  	s22 =	spop (v2sf);
	s7 =	sadd.s32 s15, s7;
	s21 =	smul.u32 $0x80808081, s14  }
0x78: {  	s11 =	ssub.s32 s17, s16;
	s23 =	smulhi.u32 $0x80808081, s22;
	s15 =	sshra.s32 s22, $0x1F  }
0x79: {  	s25 =	spop (v2sf);
	s8 =	sadd.s32 s18, s11;
	s24 =	smul.u32 $0x80808081, s15  }
0x7a: {  	s9 =	ssub.s32 s20, s19;
	s26 =	smulhi.u32 $0x80808081, s25;
	s16 =	sshra.s32 s25, $0x1F  }
0x7b: {  	s29 =	spop (v2sf);
	s9 =	sadd.s32 s21, s9;
	s28 =	smul.u32 $0x80808081, s16  }
0x7c: {  	s12 =	ssub.s32 s23, s22;
	s30 =	smulhi.u32 $0x80808081, s29;
	s17 =	sshra.s32 s29, $0x1F  }
0x7d: {  	s20 =	spop (v2sf);
	s11 =	sadd.s32 s24, s12;
	s19 =	smul.u32 $0x80808081, s17  }
0x7e: {  	s13 =	ssub.s32 s26, s25;
	s21 =	smulhi.u32 $0x80808081, s20;
	s18 =	sshra.s32 s20, $0x1F  }
0x7f: {  	s10 =	sadd.s32 s28, s13;
	s22 =	smul.u32 $0x80808081, s18;
	s18 =	spop (v2sf)  }
0x80: {  	v6 =	vmov s11;
	s23 =	ssub.s32 s30, s29;
	s24 =	smulhi.u32 $0x80808081, s18;
	s25 =	sshra.s32 s18, $0x1F  }
0x81: {  	v6 =	vnsel vm3, $0x0, v6;
	s11 =	sadd.s32 s19, s23;
	s28 =	spop (v2sf);
	s26 =	smul.u32 $0x80808081, s25  }
0x82: {  	s29 =	ssub.s32 s21, s20;
	v6 =	vsel vm0, s9, v6;
	s30 =	smulhi.u32 $0x80808081, s28;
	s19 =	sshra.s32 s28, $0x1F  }
0x83: {  	v7 =	vmov s5;
	v9 =	vmov s4;
	s20 =	sadd.s32 s22, s29;
	s22 =	spop (v2sf);
	v6 =	vsel vm1, s10, v6;
	s21 =	smul.u32 $0x80808081, s19  }
0x84: {  	v7 =	vsel vm0, s1, v7;
	v9 =	vsel vm0, s6, v9;
	s23 =	ssub.s32 s24, s18;
	s24 =	smulhi.u32 $0x80808081, s22;
	s25 =	sshra.s32 s22, $0x1F;
	v6 =	vsel vm5, s11, v6  }
0x85: {  	v60 =	vld [tilespmem:$0x1FFF0];
	v7 =	vsel vm1, s2, v7;
	v9 =	vsel vm1, s7, v9;
	s1 =	sadd.s32 s26, s23;
	s26 =	ssub.s32 s30, s28;
	s28 =	smul.u32 $0x80808081, s25;
	v6 =	vsel vm4, s20, v6  }
0x86: {  	v7 =	vsel vm5, s3, v7;
	v9 =	vsel vm5, s8, v9;
	s29 =	sadd.s32 s21, s26;
	s30 =	ssub.s32 s24, s22;
	v6 =	vsel vm2, s1, v6  }
0x87: {  	v7 =	vcombine.low v9, v7;
	s3 =	sadd.s32 s28, s30;
	v6 =	vsel vm9, s29, v6  }
0x88: {  	v6 =	vsel vm7, s3, v6  }
0x89: {  	v7 =	vperm.xlane v7, v4;
	v6 =	vperm.xlane v6, v5  }
0x8a: {  	vm6 =	vnez.u8 v60  }
0x8b: {  	v6 =	vsel vm6, v6, v7  }
0x8c: {  	v7 =	vadd.s32 v8, v6  }
0x8d: {  	v6 =	vshra.s32 v7, $0x7;
	v61 =	vshrl.u32 v7, $0x1F  }
0x8e: {  	v6 =	vadd.s32 v61, v6  }
0x8f: {  	vm8 =	vgt.s32 v6, $0x1  }
0x90: {  	v6 =	vnsel vm8, $0x1, v6  }
0x91: {  	(v2sf) =	vpush v6, $0xE  }
0x92: {  	(v2sf) =	vpush v6, $0xD  }
0x93: {  	(v2sf) =	vpush v6, $0xC  }
0x94: {  	(v2sf) =	vpush v6, $0xB  }
0x95: {  	(v2sf) =	vpush v6, $0xA  }
0x96: {  	(v2sf) =	vpush v6, $0x9  }
0x97: {  	(v2sf) =	vpush v6, $0x8  }
0x98: {  	(v2sf) =	vpush v6, $0x7  }
0x99: {  	(v2sf) =	vpush v6, $0x6  }
0x9a: {  	(v2sf) =	vpush v6, $0x5  }
0x9b: {  	v10 =	vld [tilespmem:s0+$0x0];
	(v2sf) =	vpush v6, $0x4  }
0x9c: {  	(v2sf) =	vpush v6, $0x3  }
0x9d: {  	(v2sf) =	vpush v6, $0x2  }
0x9e: {  	v7 =	vshra.s32 v7, $0x8;
	(v2sf) =	vpush v6, $0x1  }
0x9f: {  	v7 =	vadd.s32 v61, v7;
	(v2sf) =	vpush v6, $0x0  }
0xa0: {  	v9 =	vadd.s32 v7, v10;
	(v2sf) =	vpush v6, $0xF;
	s4 =	spop (v2sf)  }
0xa1: {  	s6 =	spop (v2sf);
	(v2sf) =	vpush v9, $0xE  }
0xa2: {  	s5 =	spop (v2sf);
	(v2sf) =	vpush v9, $0xD  }
0xa3: {  	s8 =	spop (v2sf);
	(v2sf) =	vpush v9, $0xC  }
0xa4: {  	s31 =	spop (v2sf);
	(v2sf) =	vpush v9, $0xB  }
0xa5: {  	s10 =	spop (v2sf);
	(v2sf) =	vpush v9, $0xA  }
0xa6: {  	s11 =	spop (v2sf);
	(v2sf) =	vpush v9, $0x9  }
0xa7: {  	s13 =	spop (v2sf);
	(v2sf) =	vpush v9, $0x8  }
0xa8: {  	s9 =	spop (v2sf);
	(v2sf) =	vpush v9, $0x7  }
0xa9: {  	s17 =	spop (v2sf);
	(v2sf) =	vpush v9, $0x6  }
0xaa: {  	s16 =	spop (v2sf);
	(v2sf) =	vpush v9, $0x5  }
0xab: {  	s24 =	spop (v2sf);
	(v2sf) =	vpush v9, $0x4  }
0xac: {  	s23 =	sshra.s32 s4, $0x1F;
	s21 =	spop (v2sf);
	(v2sf) =	vpush v9, $0x3  }
0xad: {  	s14 =	sshra.s32 s6, $0x1F;
	[smem:$0x7F2] =	sst s23;
	s25 =	spop (v2sf);
	(v2sf) =	vpush v9, $0x2  }
0xae: {  	s0 =	sxor.u32 s23, s4;
	[smem:$0x7F0] =	sst s14;
	s26 =	spop (v2sf);
	(v2sf) =	vpush v9, $0x1  }
0xaf: {  	s7 =	sshra.s32 s5, $0x1F;
	s1 =	sxor.u32 s14, s6;
	s20 =	spop (v2sf);
	(v2sf) =	vpush v9, $0x0  }
0xb0: {  	s0 =	ssub.s32 s0, s23;
	[smem:$0x7EF] =	sst s7;
	s12 =	spop (v2sf);
	(v2sf) =	vpush v9, $0xF  }
0xb1: {  	s1 =	ssub.s32 s1, s14;
	[smem:$0x7ED] =	sst s10;
	s18 =	spop (v2sf)  }
0xb2: {  	[smem:$0x7EE] =	sst s11;
	s29 =	sshra.s32 s12, $0x1F;
	s19 =	spop (v2sf)  }
0xb3: {  	s10 =	sxor.u32 s7, s5;
	[smem:$0x7F3] =	sst s29;
	s22 =	spop (v2sf)  }
0xb4: {  	s3 =	sxor.u32 s29, s12;
	s30 =	sshra.s32 s18, $0x1F;
	s28 =	spop (v2sf)  }
0xb5: {  	s3 =	ssub.s32 s3, s29;
	[smem:$0x7F1] =	sst s30;
	s15 =	spop (v2sf)  }
0xb6: {  	s6 =	sxor.u32 s30, s18;
	s14 =	sshra.s32 s19, $0x1F;
	s18 =	spop (v2sf)  }
0xb7: {  	(drf) =	sdiv.u32 s3, s0;
	s0 =	ssub.s32 s6, s30;
	s23 =	spop (v2sf)  }
0xb8: {  	s11 =	sxor.u32 s14, s19;
	(drf) =	sdiv.u32 s0, s1;
	s29 =	spop (v2sf)  }
0xb9: {  	s0 =	ssub.s32 s10, s7;
	s1 =	ssub.s32 s11, s14;
	s30 =	spop (v2sf)  }
0xba: {  	s11 =	sshra.s32 s8, $0x1F;
	s10 =	sshra.s32 s22, $0x1F;
	s6 =	spop (v2sf)  }
0xbb: {  	(drf) =	sdiv.u32 s1, s0;
	s12 =	sxor.u32 s11, s8;
	s4 =	spop (v2sf)  }
0xbc: {  	s19 =	sxor.u32 s10, s22;
	s8 =	sshra.s32 s31, $0x1F;
	s3 =	spop (v2sf)  }
0xbd: {  	s0 =	ssub.s32 s12, s11;
	s22 =	ssub.s32 s19, s10;
	s2 =	spop (v2sf)  }
0xbe: {  	(drf) =	sdiv.u32 s22, s0;
	s0 =	sxor.u32 s8, s31;
	s31 =	spop (v2sf)  }
0xbf: {  	s19 =	sshra.s32 s20, $0x1F;
	s12 =	sshra.s32 s28, $0x1F;
	s5 =	spop (v2sf)  }
0xc0: {  	s7 =	sxor.u32 s19, s20;
	s28 =	sxor.u32 s12, s28;
	s20 =	sshra.s32 s5, $0x1F  }
0xc1: {  	s1 =	ssub.s32 s0, s8;
	s28 =	ssub.s32 s28, s12;
	s22 =	sxor.u32 s20, s5  }
0xc2: {  	s0 =	ssub.s32 s7, s19;
	(drf) =	sdiv.u32 s28, s1;
	s28 =	ssub.s32 s22, s20  }
0xc3: {  	s22 =	sshra.s32 s25, $0x1F;
	(drf) =	sdiv.u32 s28, s0  }
0xc4: {  	s5 =	sxor.u32 s22, s25;
	s25 =	sshra.s32 s26, $0x1F;
	s28 =	sshra.s32 s31, $0x1F  }
0xc5: {  	s7 =	sxor.u32 s25, s26;
	s31 =	sxor.u32 s28, s31  }
0xc6: {  	s26 =	sshra.s32 s2, $0x1F;
	s0 =	ssub.s32 s5, s22;
	s1 =	ssub.s32 s7, s25  }
0xc7: {  	s31 =	ssub.s32 s31, s28;
	s2 =	sxor.u32 s26, s2;
	s7 =	sshra.s32 s24, $0x1F  }
0xc8: {  	(drf) =	sdiv.u32 s31, s1;
	s2 =	ssub.s32 s2, s26;
	s5 =	sxor.u32 s7, s24  }
0xc9: {  	s24 =	sshra.s32 s21, $0x1F;
	s31 =	sshra.s32 s3, $0x1F;
	(drf) =	sdiv.u32 s2, s0  }
0xca: {  	s0 =	sxor.u32 s24, s21;
	s3 =	sxor.u32 s31, s3;
	s21 =	sshra.s32 s4, $0x1F  }
0xcb: {  	s2 =	ssub.s32 s0, s24;
	s3 =	ssub.s32 s3, s31;
	s4 =	sxor.u32 s21, s4  }
0xcc: {  	s1 =	ssub.s32 s5, s7;
	(drf) =	sdiv.u32 s3, s2;
	s5 =	ssub.s32 s4, s21  }
0xcd: {  	s3 =	sshra.s32 s16, $0x1F;
	(drf) =	sdiv.u32 s5, s1  }
0xce: {  	s5 =	sshra.s32 s17, $0x1F;
	s2 =	sxor.u32 s3, s16;
	s16 =	sshra.s32 s30, $0x1F  }
0xcf: {  	s0 =	sxor.u32 s5, s17;
	s17 =	sshra.s32 s6, $0x1F;
	s4 =	ssub.s32 s2, s3  }
0xd0: {  	s30 =	sxor.u32 s16, s30;
	s6 =	sxor.u32 s17, s6;
	s1 =	ssub.s32 s0, s5  }
0xd1: {  	s0 =	ssub.s32 s30, s16;
	s30 =	sshra.s32 s23, $0x1F;
	s6 =	ssub.s32 s6, s17  }
0xd2: {  	s23 =	sxor.u32 s30, s23;
	(drf) =	sdiv.u32 s6, s4;
	s6 =	sshra.s32 s13, $0x1F  }
0xd3: {  	s4 =	sshra.s32 s9, $0x1F;
	s2 =	sxor.u32 s6, s13;
	s13 =	sshra.s32 s29, $0x1F  }
0xd4: {  	s23 =	ssub.s32 s23, s30;
	s9 =	sxor.u32 s4, s9;
	s29 =	sxor.u32 s13, s29  }
0xd5: {  	(drf) =	sdiv.u32 s0, s1;
	s9 =	ssub.s32 s9, s4;
	s29 =	ssub.s32 s29, s13  }
0xd6: {  	s1 =	ssub.s32 s2, s6;
	(drf) =	sdiv.u32 s29, s9;
	s29 =	sld [smem:$0x7ED]  }
0xd7: {  	(drf) =	sdiv.u32 s23, s1;
	s1 =	sld [smem:$0x7EE]  }
0xd8: {  	_ = 	snop  }
0xd9: {  	s0 =	sshra.s32 s15, $0x1F;
	s9 =	sshra.s32 s29, $0x1F  }
0xda: {  	s2 =	sxor.u32 s9, s29;
	s23 =	sshra.s32 s1, $0x1F;
	s29 =	sshra.s32 s18, $0x1F  }
0xdb: {  	s15 =	sxor.u32 s0, s15;
	s1 =	sxor.u32 s23, s1;
	s18 =	sxor.u32 s29, s18  }
0xdc: {  	s2 =	ssub.s32 s2, s9;
	s1 =	ssub.s32 s1, s23;
	s18 =	ssub.s32 s18, s29  }
0xdd: {  	(drf) =	sdiv.u32 s18, s1;
	s18 =	ssub.s32 s15, s0;
	s1 =	spop (drf)  }
0xde: {  	(drf) =	sdiv.u32 s18, s2;
	s2 =	sxor.u32 s4, s13;
	s4 =	spop (drf)  }
0xdf: {  	s19 =	sxor.u32 s19, s20;
	s0 =	sxor.u32 s9, s0;
	s9 =	spop (drf)  }
0xe0: {  	s25 =	sxor.u32 s25, s28;
	s7 =	sxor.u32 s7, s21;
	s15 =	spop (drf)  }
0xe1: {  	s3 =	sxor.u32 s3, s17;
	s5 =	sxor.u32 s5, s16;
	s17 =	spop (drf)  }
0xe2: {  	s16 =	sxor.u32 s24, s31;
	s6 =	sxor.u32 s6, s30;
	s28 =	spop (drf)  }
0xe3: {  	s13 =	sxor.u32 s23, s29;
	s29 =	sxor.u32 s22, s26;
	s30 =	spop (drf)  }
0xe4: {  	s20 =	sxor.u32 s19, s28;
	s23 =	sxor.u32 s25, s30;
	s24 =	spop (drf)  }
0xe5: {  	s18 =	ssub.s32 s23, s25;
	s25 =	sxor.u32 s29, s24;
	s26 =	spop (drf)  }
0xe6: {  	s19 =	ssub.s32 s20, s19;
	s28 =	ssub.s32 s25, s29;
	s30 =	spop (drf)  }
0xe7: {  	v62 =	vmov s19;
	s29 =	sxor.u32 s16, s26;
	s19 =	sxor.u32 s7, s30;
	s20 =	spop (drf)  }
0xe8: {  	vm10 =	vcmask $0x704;
	v9 =	vsel vm3, s18, v62;
	s16 =	ssub.s32 s29, s16;
	s7 =	ssub.s32 s19, s7;
	s21 =	sxor.u32 s3, s20  }
0xe9: {  	v9 =	vsel vm10, s28, v9;
	s22 =	spop (drf);
	s20 =	sxor.u32 s8, s12;
	s8 =	sld [smem:$0x7F3]  }
0xea: {  	v9 =	vsel vm0, s16, v9;
	s3 =	ssub.s32 s21, s3;
	s23 =	sxor.u32 s5, s22;
	s24 =	spop (drf)  }
0xeb: {  	v9 =	vsel vm11, s7, v9;
	s21 =	sxor.u32 s20, s17;
	s26 =	sxor.u32 s2, s24;
	s28 =	spop (drf)  }
0xec: {  	v9 =	vsel vm1, s3, v9;
	s25 =	ssub.s32 s23, s5;
	s2 =	ssub.s32 s26, s2;
	s29 =	sxor.u32 s6, s28  }
0xed: {  	v9 =	vsel vm12, s25, v9;
	s30 =	spop (drf);
	s25 =	sld [smem:$0x7EF];
	s6 =	ssub.s32 s29, s6  }
0xee: {  	v9 =	vsel vm5, s2, v9;
	s7 =	sxor.u32 s13, s30;
	s16 =	spop (drf);
	s29 =	sld [smem:$0x7F0]  }
0xef: {  	s30 =	sld [smem:$0x7F1];
	v9 =	vsel vm13, s6, v9;
	s18 =	ssub.s32 s7, s13;
	s19 =	sxor.u32 s0, s16  }
0xf0: {  	s22 =	sxor.u32 s11, s10;
	s7 =	sld [smem:$0x7F2];
	v9 =	vsel vm4, s18, v9;
	s0 =	ssub.s32 s19, s0  }
0xf1: {  	(v2sf) =	vpush v6, $0xE;
	s23 =	ssub.s32 s21, s20;
	s24 =	sxor.u32 s22, s15;
	s5 =	sxor.u32 s25, s14;
	v9 =	vsel vm14, s0, v9  }
0xf2: {  	(v2sf) =	vpush v6, $0xD;
	s26 =	ssub.s32 s24, s22;
	s28 =	sxor.u32 s5, s9;
	s3 =	sxor.u32 s29, s30;
	v9 =	vsel vm2, s23, v9  }
0xf3: {  	(v2sf) =	vpush v6, $0xC;
	s2 =	ssub.s32 s28, s5;
	s6 =	sxor.u32 s3, s4;
	s4 =	sxor.u32 s7, s8;
	v9 =	vsel vm15, s26, v9  }
0xf4: {  	(v2sf) =	vpush v6, $0xB;
	vm10 =	vcmask $0x3734;
	s9 =	ssub.s32 s6, s3;
	s1 =	sxor.u32 s4, s1;
	v9 =	vsel vm9, s2, v9  }
0xf5: {  	(v2sf) =	vpush v6, $0xA;
	s10 =	ssub.s32 s1, s4;
	v9 =	vsel vm10, s9, v9  }
0xf6: {  	v9 =	vsel vm7, s10, v9  }
0xf7: {  	(v2sf) =	vpush v6, $0x9;
	vm8 =	vgt.s32 v9, $0x0  }
0xf8: {  	v8 =	vadd.s32 $0xFE, v8;
	(v2sf) =	vpush v6, $0x8;
	s11 =	simm.s32 $0x0;
	v9 =	vnsel vm8, $0x0, v9  }
0xf9: {  	v63 =	vor.u32 s11, v1;
	vm8 =	vlt.u32 v8, $0x1FD;
	v8 =	vmin.u32 v9, $0xFF  }
0xfa: {  	(v2sf) =	vpush v6, $0x7;
	v8 =	vsel vm8, v63, v8  }
0xfb: {  	(v2sf) =	vpush v6, $0x6;
	v8 =	vcvt.s32.f32 v8;
	_ =	sdelay $0x1  }
0xfc: {  	(v2sf) =	vpush v6, $0x5;
	v8 =	vmul.f32 $3.921568860e-03, v8  }
0xfd: {  	s12 =	simm.s32 $0x9100  }
0xfe: {  	s17 =	simm.s32 $0x9010;
	s14 =	simm.s32 $0x9010;
	[tilespmem:s12+$0x0] =	vst v8  }
0xff: {  	(v2sf) =	vpush v6, $0x4;
	s15 =	spop (v2sf);
	[dreg:$0x7] =	wrdreg s17;
	s13 =	simm.s32 $0x9100;
	v8 =	vld [tilespmem:s14+$0x0]  }
0x100: {  	(v2sf) =	vpush v6, $0x3;
	[dreg:$0x6] =	wrdreg s13;
	s18 =	spop (v2sf);
	s30 =	sshra.s32 s15, $0x1F  }
0x101: {  	(v2sf) =	vpush v6, $0x2;
	s23 =	sshra.s32 s18, $0x1F;
	[dreg:$0xf] =	wrdreg s30;
	s4 =	spop (v2sf)  }
0x102: {  	(v2sf) =	vpush v6, $0x1;
	s21 =	sxor.u32 s30, s15;
	[dreg:$0x3] =	wrdreg s23;
	s5 =	spop (v2sf)  }
0x103: {  	(v2sf) =	vpush v6, $0x0;
	s1 =	sxor.u32 s23, s18;
	s29 =	sshra.s32 s4, $0x1F;
	s6 =	spop (v2sf)  }
0x104: {  	(v2sf) =	vpush v6, $0xF;
	s20 =	sshra.s32 s5, $0x1F;
	s31 =	sxor.u32 s29, s4;
	[dreg:$0x5] =	wrdreg s29;
	v8 =	vadd.s32 v7, v8  }
0x105: {  	s7 =	spop (v2sf);
	s19 =	sshra.s32 s6, $0x1F;
	[dreg:$0x10] =	wrdreg s20;
	(v2sf) =	vpush v8, $0xE  }
0x106: {  	s2 =	sxor.u32 s20, s5;
	s26 =	sshra.s32 s7, $0x1F;
	[dreg:$0xe] =	wrdreg s19;
	(v2sf) =	vpush v8, $0xD  }
0x107: {  	s10 =	spop (v2sf);
	s5 =	sxor.u32 s19, s6;
	[dreg:$0xb] =	wrdreg s26;
	(v2sf) =	vpush v8, $0xC  }
0x108: {  	s13 =	spop (v2sf);
	s3 =	sxor.u32 s26, s7;
	[dreg:$0x1d] =	wrdreg s5;
	(v2sf) =	vpush v8, $0xB  }
0x109: {  	s25 =	sshra.s32 s10, $0x1F;
	s9 =	spop (v2sf);
	[dreg:$0x11] =	wrdreg s3;
	(v2sf) =	vpush v8, $0xA  }
0x10a: {  	s24 =	sshra.s32 s13, $0x1F;
	[dreg:$0xa] =	wrdreg s25;
	s3 =	ssub.s32 s21, s30;
	(v2sf) =	vpush v8, $0x9  }
0x10b: {  	s30 =	simm.s32 $0x10;
	s17 =	spop (v2sf);
	[dreg:$0x9] =	wrdreg s24;
	(v2sf) =	vpush v8, $0x8  }
0x10c: {  	s10 =	sxor.u32 s25, s10;
	[dreg:$0x4] =	wrdreg s30;
	s28 =	sshra.s32 s17, $0x1F;
	(v2sf) =	vpush v8, $0x7  }
0x10d: {  	s8 =	sxor.u32 s24, s13;
	[dreg:$0xd] =	wrdreg s28;
	s13 =	sxor.u32 s28, s17  }
0x10e: {  	s11 =	spop (v2sf);
	s17 =	sshra.s32 s9, $0x1F;
	[dreg:$0x12] =	wrdreg s13  }
0x10f: {  	s24 =	sshra.s32 s11, $0x1F;
	[dreg:$0xc] =	wrdreg s17;
	s12 =	spop (v2sf)  }
0x110: {  	s0 =	sxor.u32 s17, s9;
	[smem:$0x7F5] =	sst s24;
	s16 =	spop (v2sf)  }
0x111: {  	[dreg:$0x19] =	wrdreg s0;
	s22 =	sshra.s32 s12, $0x1F;
	s14 =	spop (v2sf)  }
0x112: {  	s5 =	sxor.u32 s24, s11;
	[smem:$0x7F4] =	sst s22;
	s15 =	spop (v2sf)  }
0x113: {  	s0 =	sxor.u32 s22, s12;
	s26 =	sshra.s32 s16, $0x1F;
	s18 =	spop (v2sf)  }
0x114: {  	[dreg:$0x17] =	wrdreg s0;
	s25 =	sshra.s32 s14, $0x1F;
	(v2sf) =	vpush v8, $0x6;
	s4 =	spop (v2sf)  }
0x115: {  	[smem:$0x7F7] =	sst s26;
	s0 =	sxor.u32 s26, s16;
	(v2sf) =	vpush v8, $0x5;
	s20 =	spop (v2sf)  }
0x116: {  	[smem:$0x7F6] =	sst s25;
	s6 =	sxor.u32 s25, s14;
	(v2sf) =	vpush v8, $0x4;
	s19 =	spop (v2sf)  }
0x117: {  	s14 =	smov.u32 s8;
	[smem:$0x7F8] =	sst s0;
	(v2sf) =	vpush v8, $0x3;
	s16 =	spop (v2sf)  }
0x118: {  	s28 =	sshra.s32 s15, $0x1F;
	s8 =	ssub.s32 s31, s29;
	(v2sf) =	vpush v8, $0x2;
	s17 =	spop (v2sf)  }
0x119: {  	s22 =	smov.u32 s28;
	s13 =	sshra.s32 s18, $0x1F;
	(v2sf) =	vpush v8, $0x1;
	s25 =	spop (v2sf)  }
0x11a: {  	s15 =	sxor.u32 s28, s15;
	s24 =	sxor.u32 s13, s18;
	(v2sf) =	vpush v8, $0x0;
	s11 =	spop (v2sf)  }
0x11b: {  	vm6 =	vmmov vm2;
	vm2 =	vmmov vm1;
	s18 =	ssub.s32 s1, s23;
	s1 =	simm.s32 $0x20;
	(v2sf) =	vpush v8, $0xF;
	s31 =	spop (v2sf)  }
.LBB2_13:
0x11c: {  	[smem:$0x7D0] =	sst s11  }
0x11d: {  	[smem:$0x7D1] =	sst s31  }
0x11e: {  	[smem:$0x7CF] =	sst s16  }
0x11f: {  	[smem:$0x7D2] =	sst s3  }
0x120: {  	[smem:$0x7D4] =	sst s18  }
0x121: {  	[smem:$0x7D6] =	sst s8  }
0x122: {  	[dreg:$0x8] =	wrdreg s1  }
0x123: {  	s0 =	rddreg [dreg:$0x10]  }
0x124: {  	s18 =	rddreg [dreg:$0xb]  }
0x125: {  	s26 =	rddreg [dreg:$0x11]  }
0x126: {  	s28 =	rddreg [dreg:$0xe]  }
0x127: {  	s29 =	rddreg [dreg:$0x1d]  }
0x128: {  	s9 =	rddreg [dreg:$0x9]  }
0x129: {  	s23 =	rddreg [dreg:$0xa]  }
0x12a: {  	s3 =	rddreg [dreg:$0x12]  }
0x12b: {  	s21 =	rddreg [dreg:$0xc]  }
0x12c: {  	s7 =	rddreg [dreg:$0x19]  }
0x12d: {  	s12 =	rddreg [dreg:$0x17]  }
0x12e: {  	[dreg:$0x10] =	wrdreg s0  }
0x12f: {  	s15 =	ssub.s32 s15, s22;
	[dreg:$0xe] =	wrdreg s28  }
0x130: {  	s16 =	sshra.s32 s16, $0x1F;
	[smem:$0x7DD] =	sst s15  }
0x131: {  	p0 =	sne.s32 s1, $0xF0;
	s1 =	ssub.s32 s26, s18;
	[smem:$0x7CE] =	sst s16  }
0x132: {  	[dreg:$0x14] =	wrdreg s1  }
0x133: {  	s0 =	ssub.s32 s2, s0;
	s2 =	ssub.s32 s10, s23;
	s10 =	rddreg [dreg:$0xd]  }
0x134: {  	s1 =	ssub.s32 s29, s28;
	s28 =	sld [smem:$0x7F4]  }
0x135: {  	[smem:$0x7D7] =	sst s0  }
0x136: {  	[smem:$0x7D9] =	sst s1  }
0x137: {  	[dreg:$0x16] =	wrdreg s2  }
0x138: {  	s0 =	ssub.s32 s14, s9;
	s2 =	sld [smem:$0x7F8]  }
0x139: {  	s1 =	ssub.s32 s3, s10;
	[dreg:$0x1a] =	wrdreg s0  }
0x13a: {  	[dreg:$0x1e] =	wrdreg s1  }
0x13b: {  	s1 =	ssub.s32 s7, s21;
	s7 =	sld [smem:$0x7F5]  }
0x13c: {  	[dreg:$0x1c] =	wrdreg s1  }
0x13d: {  	s1 =	ssub.s32 s12, s28;
	s12 =	sld [smem:$0x7F6]  }
0x13e: {  	[smem:$0x7E2] =	sst s1;
	s1 =	sshra.s32 s20, $0x1F  }
0x13f: {  	s30 =	smov.u32 s6;
	s6 =	spop (v2sf);
	[smem:$0x7CC] =	sst s1  }
0x140: {  	s29 =	ssub.s32 s5, s7;
	[smem:$0x7D3] =	sst s6  }
0x141: {  	s8 =	spop (v2sf);
	[smem:$0x7E3] =	sst s29  }
0x142: {  	s0 =	ssub.s32 s30, s12;
	s30 =	smov.u32 s17;
	s17 =	sld [smem:$0x7F7]  }
0x143: {  	s1 =	sshra.s32 s25, $0x1F;
	[smem:$0x7D5] =	sst s8  }
0x144: {  	s18 =	sxor.u32 s18, s1;
	[smem:$0x7DF] =	sst s0  }
0x145: {  	s26 =	spop (v2sf);
	[dreg:$0x13] =	wrdreg s18  }
0x146: {  	s0 =	ssub.s32 s24, s13;
	[smem:$0x7E0] =	sst s26  }
0x147: {  	s15 =	sshra.s32 s30, $0x1F;
	[smem:$0x7DB] =	sst s0  }
0x148: {  	s14 =	spop (v2sf);
	[smem:$0x7CD] =	sst s15  }
0x149: {  	s15 =	sshra.s32 s31, $0x1F;
	[smem:$0x7DE] =	sst s14;
	s5 =	spop (v2sf)  }
0x14a: {  	s31 =	sshra.s32 s6, $0x1F;
	s3 =	ssub.s32 s2, s17;
	[smem:$0x7DC] =	sst s5  }
0x14b: {  	s18 =	sxor.u32 s21, s31;
	[smem:$0x7E1] =	sst s3  }
0x14c: {  	s24 =	sshra.s32 s26, $0x1F;
	s21 =	sxor.u32 s9, s15;
	[dreg:$0x1b] =	wrdreg s18  }
0x14d: {  	s26 =	sshra.s32 s8, $0x1F;
	s9 =	sxor.u32 s7, s24;
	[dreg:$0x18] =	wrdreg s21  }
0x14e: {  	s10 =	sxor.u32 s10, s26;
	[smem:$0x7E7] =	sst s9  }
0x14f: {  	[dreg:$0x1f] =	wrdreg s10  }
0x150: {  	s16 =	sshra.s32 s19, $0x1F;
	s21 =	sld [smem:$0x7CC]  }
0x151: {  	s29 =	spop (v2sf);
	s9 =	sxor.u32 s16, s19;
	s19 =	sld [smem:$0x7CF]  }
0x152: {  	s3 =	sshra.s32 s4, $0x1F;
	s8 =	sshra.s32 s5, $0x1F;
	[smem:$0x7DA] =	sst s29  }
0x153: {  	s5 =	sshra.s32 s14, $0x1F;
	s2 =	spop (v2sf);
	[smem:$0x7E8] =	sst s3  }
0x154: {  	s3 =	sshra.s32 s11, $0x1F;
	s18 =	sxor.u32 s17, s8;
	[smem:$0x7D8] =	sst s2  }
0x155: {  	s11 =	smov.u32 s13;
	s13 =	sshra.s32 s29, $0x1F;
	[smem:$0x7E5] =	sst s18  }
0x156: {  	s29 =	sshra.s32 s2, $0x1F;
	s2 =	smov.u32 s1;
	s17 =	sld [smem:$0x7E8]  }
0x157: {  	s23 =	sxor.u32 s23, s3;
	s10 =	sxor.u32 s12, s13;
	s12 =	sld [smem:$0x7D2]  }
0x158: {  	s1 =	smov.u32 s3;
	s3 =	sxor.u32 s28, s5;
	[dreg:$0x15] =	wrdreg s23  }
0x159: {  	s14 =	smov.u32 s25;
	s0 =	spop (v2sf);
	[smem:$0x7E6] =	sst s3  }
0x15a: {  	s6 =	sshra.s32 s0, $0x1F;
	s25 =	smov.u32 s0;
	s23 =	sld [smem:$0x7CD]  }
0x15b: {  	s0 =	sxor.u32 s21, s20;
	s28 =	sxor.u32 s22, s29;
	s3 =	sld [smem:$0x7CE]  }
0x15c: {  	s22 =	smov.u32 s16;
	s20 =	sxor.u32 s11, s6;
	s11 =	sld [smem:$0x7D1]  }
0x15d: {  	s7 =	sxor.u32 s17, s4;
	s18 =	sxor.u32 s23, s30;
	s30 =	sld [smem:$0x7D0]  }
0x15e: {  	s16 =	sxor.u32 s3, s19;
	s7 =	ssub.s32 s7, s17;
	s17 =	sld [smem:$0x7D3]  }
0x15f: {  	s0 =	ssub.s32 s0, s21;
	(drf) =	sdiv.u32 s7, s12;
	s12 =	ssub.s32 s16, s3  }
0x160: {  	s16 =	sld [smem:$0x7D6];
	s4 =	sxor.u32 s1, s30;
	s30 =	sxor.u32 s2, s14  }
0x161: {  	s14 =	smov.u32 s2;
	s7 =	sxor.u32 s31, s17;
	s2 =	sld [smem:$0x7D4]  }
0x162: {  	s17 =	smov.u32 s3;
	s3 =	ssub.s32 s18, s23;
	s18 =	sld [smem:$0x7D7]  }
0x163: {  	s9 =	ssub.s32 s9, s22;
	[smem:$0x7E4] =	sst s4;
	s4 =	sxor.u32 s15, s11  }
0x164: {  	s11 =	sld [smem:$0x7D5];
	(drf) =	sdiv.u32 s0, s2;
	s2 =	sxor.u32 s6, s25  }
0x165: {  	(drf) =	sdiv.u32 s9, s16;
	s16 =	smov.u32 s23;
	s23 =	sld [smem:$0x7D8]  }
0x166: {  	s6 =	ssub.s32 s2, s6;
	s2 =	sld [smem:$0x7D9]  }
0x167: {  	s9 =	sld [smem:$0x7DA]  }
0x168: {  	(drf) =	sdiv.u32 s12, s18;
	s12 =	sld [smem:$0x7DB]  }
0x169: {  	s0 =	sxor.u32 s26, s11;
	(drf) =	sdiv.u32 s3, s2;
	s2 =	sld [smem:$0x7DD]  }
0x16a: {  	s25 =	sxor.u32 s29, s23;
	s11 =	sxor.u32 s13, s9;
	s9 =	sld [smem:$0x7DE]  }
0x16b: {  	s3 =	ssub.s32 s25, s29;
	s25 =	sld [smem:$0x7DC]  }
0x16c: {  	(drf) =	sdiv.u32 s6, s12;
	s12 =	sld [smem:$0x7DF]  }
0x16d: {  	s18 =	ssub.s32 s11, s13;
	s6 =	sld [smem:$0x7E3]  }
0x16e: {  	(drf) =	sdiv.u32 s3, s2;
	s11 =	sxor.u32 s5, s9;
	s9 =	rddreg [dreg:$0x1e]  }
0x16f: {  	(drf) =	sdiv.u32 s18, s12;
	s18 =	sld [smem:$0x7E0]  }
0x170: {  	s19 =	smov.u32 s1;
	s29 =	sxor.u32 s8, s25;
	s25 =	sld [smem:$0x7E1]  }
0x171: {  	s1 =	spop (drf);
	s13 =	ssub.s32 s11, s5;
	s5 =	sld [smem:$0x7E2]  }
0x172: {  	s11 =	ssub.s32 s4, s15;
	s12 =	rddreg [dreg:$0x1c];
	s8 =	ssub.s32 s29, s8  }
0x173: {  	s15 =	rddreg [dreg:$0x1a];
	s3 =	sxor.u32 s24, s18;
	(drf) =	sdiv.u32 s8, s25  }
0x174: {  	s18 =	ssub.s32 s30, s14;
	s14 =	sld [smem:$0x7E6];
	(drf) =	sdiv.u32 s13, s5  }
0x175: {  	s29 =	ssub.s32 s3, s24;
	s3 =	spop (drf);
	s13 =	sld [smem:$0x7E4]  }
0x176: {  	s0 =	ssub.s32 s0, s26;
	s24 =	rddreg [dreg:$0x16];
	(drf) =	sdiv.u32 s29, s6  }
0x177: {  	(drf) =	sdiv.u32 s0, s9;
	s0 =	spop (drf)  }
0x178: {  	s8 =	ssub.s32 s7, s31;
	s29 =	rddreg [dreg:$0x14];
	s9 =	spop (drf)  }
0x179: {  	(drf) =	sdiv.u32 s8, s12;
	s5 =	spop (drf)  }
0x17a: {  	s2 =	ssub.s32 s13, s19;
	(drf) =	sdiv.u32 s11, s15;
	s19 =	spop (drf)  }
0x17b: {  	(drf) =	sdiv.u32 s2, s24;
	s26 =	spop (drf)  }
0x17c: {  	s25 =	sxor.u32 s20, s19;
	(drf) =	sdiv.u32 s18, s29;
	s30 =	sxor.u32 s28, s26  }
0x17d: {  	s2 =	ssub.s32 s25, s20;
	s4 =	spop (drf);
	s20 =	sld [smem:$0x7E7]  }
0x17e: {  	s6 =	ssub.s32 s30, s28;
	s7 =	sxor.u32 s10, s4;
	s8 =	spop (drf)  }
0x17f: {  	v8 =	vmov s2;
	s2 =	ssub.s32 s7, s10;
	s10 =	sld [smem:$0x7E5];
	s12 =	spop (drf)  }
0x180: {  	s28 =	rddreg [dreg:$0x1f];
	s15 =	sxor.u32 s14, s12;
	s18 =	spop (drf)  }
0x181: {  	v8 =	vsel vm3, s6, v8;
	s6 =	rddreg [dreg:$0x1b];
	s19 =	ssub.s32 s15, s14;
	s24 =	sxor.u32 s20, s18  }
0x182: {  	s25 =	spop (drf);
	s11 =	sxor.u32 s10, s8;
	s26 =	ssub.s32 s24, s20  }
0x183: {  	vm1 =	vcmask $0x704;
	s29 =	sxor.u32 s28, s25;
	s30 =	spop (drf);
	s13 =	ssub.s32 s11, s10  }
0x184: {  	v8 =	vsel vm1, s2, v8;
	s4 =	ssub.s32 s29, s28;
	s10 =	sxor.u32 s6, s30;
	s29 =	rddreg [dreg:$0xe]  }
0x185: {  	s11 =	spop (drf);
	v8 =	vsel vm0, s13, v8;
	s12 =	ssub.s32 s10, s6;
	s13 =	rddreg [dreg:$0x18]  }
0x186: {  	s15 =	spop (drf);
	s7 =	sxor.u32 s29, s16;
	s16 =	sld [smem:$0x7E8];
	v8 =	vsel vm11, s19, v8  }
0x187: {  	(v2sf) =	vpush v6, $0xE;
	s14 =	sxor.u32 s13, s11;
	s19 =	rddreg [dreg:$0x15];
	s24 =	spop (drf);
	v8 =	vsel vm2, s26, v8  }
0x188: {  	(v2sf) =	vpush v6, $0xD;
	s5 =	sxor.u32 s7, s5;
	s11 =	rddreg [dreg:$0x5];
	s18 =	ssub.s32 s14, s13;
	v8 =	vsel vm12, s4, v8  }
0x189: {  	s20 =	sxor.u32 s19, s15;
	s26 =	rddreg [dreg:$0x13];
	s8 =	ssub.s32 s5, s7;
	v8 =	vsel vm5, s12, v8  }
0x18a: {  	(v2sf) =	vpush v6, $0xC;
	s25 =	ssub.s32 s20, s19;
	s28 =	sxor.u32 s26, s24;
	s4 =	rddreg [dreg:$0x10];
	v8 =	vsel vm13, s18, v8  }
0x18b: {  	(v2sf) =	vpush v6, $0xB;
	s13 =	rddreg [dreg:$0x3];
	s30 =	ssub.s32 s28, s26;
	s6 =	sxor.u32 s4, s17;
	v8 =	vsel vm4, s25, v8  }
0x18c: {  	s5 =	sxor.u32 s11, s22;
	s15 =	rddreg [dreg:$0xf];
	s10 =	sxor.u32 s6, s9;
	v8 =	vsel vm14, s30, v8  }
0x18d: {  	(v2sf) =	vpush v6, $0xA;
	s0 =	sxor.u32 s5, s0;
	s4 =	sxor.u32 s13, s21;
	s12 =	ssub.s32 s10, s6;
	v8 =	vsel vm6, s8, v8  }
0x18e: {  	(v2sf) =	vpush v6, $0x9;
	s0 =	ssub.s32 s0, s5;
	s14 =	sxor.u32 s4, s3;
	s3 =	sxor.u32 s15, s16;
	v8 =	vsel vm15, s12, v8  }
0x18f: {  	(v2sf) =	vpush v6, $0x8;
	s17 =	ssub.s32 s14, s4;
	s1 =	sxor.u32 s3, s1;
	v8 =	vsel vm9, s0, v8  }
0x190: {  	s18 =	ssub.s32 s1, s3;
	v8 =	vsel vm10, s17, v8  }
0x191: {  	v8 =	vsel vm7, s18, v8  }
0x192: {  	(v2sf) =	vpush v6, $0x7;
	vm1 =	vmmov vm0;
	vm0 =	vgt.s32 v8, $0x0  }
0x193: {  	(v2sf) =	vpush v6, $0x6;
	s19 =	rddreg [dreg:$0x4];
	v8 =	vnsel vm0, $0x0, v8  }
0x194: {  	(v2sf) =	vpush v6, $0x5;
	s23 =	rddreg [dreg:$0x6];
	v9 =	vor.u32 s19, v1;
	v8 =	vmin.u32 v8, $0xFF  }
0x195: {  	(v2sf) =	vpush v6, $0x4;
	s23 =	sadd.s32 $0x10, s23;
	s20 =	rddreg [dreg:$0x8];
	v8 =	vsel vm8, v9, v8  }
0x196: {  	[dreg:$0x6] =	wrdreg s23;
	s22 =	spop (v2sf);
	s21 =	smov.u32 s20;
	v8 =	vcvt.s32.f32 v8  }
0x197: {  	(v2sf) =	vpush v6, $0x3;
	[dreg:$0x4] =	wrdreg s21;
	s9 =	sshra.s32 s22, $0x1F;
	s10 =	spop (v2sf)  }
0x198: {  	(v2sf) =	vpush v6, $0x2;
	[dreg:$0xf] =	wrdreg s9;
	s30 =	sshra.s32 s10, $0x1F;
	v8 =	vmul.f32 $3.921568860e-03, v8  }
0x199: {  	(v2sf) =	vpush v6, $0x1;
	s7 =	spop (v2sf);
	[dreg:$0x3] =	wrdreg s30  }
0x19a: {  	(v2sf) =	vpush v6, $0x0;
	s11 =	spop (v2sf);
	s31 =	sshra.s32 s7, $0x1F;
	[tilespmem:s23+$0x0] =	vst v8;
	s23 =	rddreg [dreg:$0x7]  }
0x19b: {  	s2 =	sshra.s32 s11, $0x1F;
	[dreg:$0x5] =	wrdreg s31;
	s0 =	sadd.s32 $0x10, s23  }
0x19c: {  	s4 =	spop (v2sf);
	[dreg:$0x10] =	wrdreg s2;
	s2 =	sxor.u32 s2, s11;
	v8 =	vld [tilespmem:s0+$0x0]  }
0x19d: {  	s5 =	spop (v2sf);
	s14 =	sshra.s32 s4, $0x1F;
	[smem:$0x7EB] =	sst s2  }
0x19e: {  	s16 =	spop (v2sf);
	s15 =	sshra.s32 s5, $0x1F;
	[dreg:$0xe] =	wrdreg s14  }
0x19f: {  	s2 =	sxor.u32 s31, s7;
	s4 =	sxor.u32 s14, s4;
	[dreg:$0xb] =	wrdreg s15  }
0x1a0: {  	s7 =	sxor.u32 s30, s10;
	s15 =	sxor.u32 s15, s5;
	[dreg:$0x1d] =	wrdreg s4  }
0x1a1: {  	(v2sf) =	vpush v6, $0xF;
	s8 =	spop (v2sf);
	s20 =	sshra.s32 s16, $0x1F;
	[dreg:$0x11] =	wrdreg s15;
	v8 =	vadd.s32 v7, v8  }
0x1a2: {  	s1 =	spop (v2sf);
	s19 =	sshra.s32 s8, $0x1F;
	[dreg:$0xa] =	wrdreg s20;
	(v2sf) =	vpush v8, $0xE  }
0x1a3: {  	s24 =	spop (v2sf);
	[dreg:$0x9] =	wrdreg s19;
	s14 =	sxor.u32 s19, s8;
	(v2sf) =	vpush v8, $0xD  }
0x1a4: {  	s8 =	ssub.s32 s2, s31;
	s2 =	sld [smem:$0x7EB];
	s26 =	spop (v2sf);
	(v2sf) =	vpush v8, $0xC  }
0x1a5: {  	s18 =	sshra.s32 s24, $0x1F;
	s6 =	smov.u32 s24;
	[smem:$0x7E9] =	sst s26;
	(v2sf) =	vpush v8, $0xB  }
0x1a6: {  	s29 =	spop (v2sf);
	[dreg:$0xd] =	wrdreg s18;
	s6 =	sxor.u32 s18, s6;
	(v2sf) =	vpush v8, $0xA  }
0x1a7: {  	s18 =	ssub.s32 s7, s30;
	s30 =	rddreg [dreg:$0x8];
	s21 =	spop (v2sf);
	(v2sf) =	vpush v8, $0x9  }
0x1a8: {  	s26 =	sshra.s32 s26, $0x1F;
	[dreg:$0x12] =	wrdreg s6;
	s23 =	spop (v2sf);
	(v2sf) =	vpush v8, $0x8  }
0x1a9: {  	s3 =	sshra.s32 s29, $0x1F;
	[smem:$0x7F5] =	sst s26;
	s28 =	spop (v2sf);
	(v2sf) =	vpush v8, $0x7  }
0x1aa: {  	[smem:$0x7F4] =	sst s3;
	s3 =	sxor.u32 s3, s29  }
0x1ab: {  	s17 =	sshra.s32 s21, $0x1F;
	[dreg:$0x17] =	wrdreg s3  }
0x1ac: {  	[smem:$0x7F7] =	sst s17  }
0x1ad: {  	[dreg:$0x7] =	wrdreg s0;
	s0 =	smov.u32 s22;
	s22 =	sshra.s32 s1, $0x1F  }
0x1ae: {  	s10 =	sxor.u32 s20, s16;
	[dreg:$0xc] =	wrdreg s22  }
0x1af: {  	s24 =	sshra.s32 s23, $0x1F;
	s19 =	sxor.u32 s22, s1;
	s22 =	sld [smem:$0x7E9]  }
0x1b0: {  	s25 =	spop (v2sf);
	s0 =	sxor.u32 s9, s0;
	[smem:$0x7F6] =	sst s24  }
0x1b1: {  	s13 =	sshra.s32 s28, $0x1F;
	[smem:$0x7EA] =	sst s0;
	(v2sf) =	vpush v8, $0x6;
	s4 =	spop (v2sf)  }
0x1b2: {  	s6 =	sxor.u32 s24, s23;
	[dreg:$0x19] =	wrdreg s19;
	(v2sf) =	vpush v8, $0x5;
	s20 =	spop (v2sf)  }
0x1b3: {  	s1 =	sadd.s32 $0x10, s30;
	s29 =	sld [smem:$0x7EA];
	(v2sf) =	vpush v8, $0x4;
	s19 =	spop (v2sf)  }
.Ltmp5:
0x1b4: {  	s12 =	sshra.s32 s25, $0x1F;
	(v2sf) =	vpush v8, $0x3;
	s16 =	spop (v2sf);
	(pc) =	sbr.rel @p0 .LBB2_13-.Ltmp5, $4  }
0x1b5: {  	s5 =	sxor.u32 s26, s22;
	s26 =	sxor.u32 s17, s21;
	(v2sf) =	vpush v8, $0x2;
	s17 =	spop (v2sf)  }
0x1b6: {  	s15 =	sxor.u32 s13, s28;
	s24 =	sxor.u32 s12, s25;
	(v2sf) =	vpush v8, $0x1;
	s25 =	spop (v2sf)  }
0x1b7: {  	s22 =	smov.u32 s13;
	s13 =	smov.u32 s12;
	(v2sf) =	vpush v8, $0x0;
	s11 =	spop (v2sf)  }
0x1b8: {  	vm0 =	vmmov vm1;
	[smem:$0x7F8] =	sst s26;
	s3 =	ssub.s32 s29, s9;
	(v2sf) =	vpush v8, $0xF;
	s31 =	spop (v2sf)  }
0x1b9: {  	s0 =	sshra.s32 s4, $0x1F;
	s23 =	sshra.s32 s20, $0x1F;
	[smem:$0x7C7] =	sst s13  }
0x1ba: {  	s26 =	sshra.s32 s19, $0x1F;
	s30 =	sshra.s32 s16, $0x1F;
	[smem:$0x7CB] =	sst s0  }
0x1bb: {  	s1 =	sxor.u32 s0, s4;
	[smem:$0x7CA] =	sst s23;
	s9 =	sxor.u32 s23, s20  }
0x1bc: {  	[smem:$0x7C9] =	sst s26;
	s28 =	sxor.u32 s26, s19;
	s1 =	ssub.s32 s1, s0  }
0x1bd: {  	[smem:$0x7C8] =	sst s30;
	s29 =	ssub.s32 s9, s23;
	(drf) =	sdiv.u32 s1, s3  }
0x1be: {  	s19 =	rddreg [dreg:$0xe];
	s0 =	ssub.s32 s28, s26;
	(drf) =	sdiv.u32 s29, s18  }
0x1bf: {  	s20 =	smov.u32 s11;
	(drf) =	sdiv.u32 s0, s8;
	s8 =	rddreg [dreg:$0x10]  }
0x1c0: {  	s4 =	smov.u32 s5;
	s5 =	ssub.s32 s24, s13;
	s2 =	ssub.s32 s2, s8  }
0x1c1: {  	s8 =	smov.u32 s10;
	s10 =	sxor.u32 s30, s16;
	s1 =	spop (v2sf)  }
0x1c2: {  	s24 =	sld [smem:$0x7F7];
	s23 =	ssub.s32 s10, s30;
	s7 =	spop (v2sf)  }
0x1c3: {  	s30 =	sshra.s32 s17, $0x1F;
	(drf) =	sdiv.u32 s23, s2;
	s23 =	rddreg [dreg:$0x1d]  }
0x1c4: {  	s29 =	sxor.u32 s30, s17;
	s9 =	spop (v2sf);
	s26 =	ssub.s32 s23, s19  }
0x1c5: {  	s28 =	ssub.s32 s29, s30;
	s23 =	sld [smem:$0x7F8];
	s11 =	spop (v2sf)  }
0x1c6: {  	(drf) =	sdiv.u32 s28, s26;
	s0 =	spop (v2sf)  }
0x1c7: {  	s26 =	sld [smem:$0x7F6];
	s21 =	spop (v2sf)  }
0x1c8: {  	s15 =	ssub.s32 s15, s22;
	s28 =	ssub.s32 s23, s24;
	s16 =	spop (v2sf)  }
0x1c9: {  	s23 =	rddreg [dreg:$0x12];
	s17 =	sshra.s32 s21, $0x1F;
	s12 =	spop (v2sf)  }
0x1ca: {  	s19 =	ssub.s32 s6, s26;
	s13 =	sshra.s32 s16, $0x1F;
	s29 =	sshra.s32 s12, $0x1F  }
0x1cb: {  	s18 =	sxor.u32 s17, s21;
	s3 =	sxor.u32 s29, s12;
	s12 =	sxor.u32 s13, s16  }
0x1cc: {  	s16 =	sshra.s32 s0, $0x1F;
	s2 =	ssub.s32 s3, s29;
	s10 =	ssub.s32 s12, s13  }
0x1cd: {  	s21 =	sxor.u32 s16, s0;
	s12 =	sshra.s32 s11, $0x1F;
	s3 =	rddreg [dreg:$0x17]  }
0x1ce: {  	(drf) =	sdiv.u32 s2, s5;
	s0 =	sxor.u32 s12, s11;
	s11 =	sshra.s32 s9, $0x1F  }
0x1cf: {  	(drf) =	sdiv.u32 s10, s15;
	s10 =	ssub.s32 s18, s17;
	s15 =	sxor.u32 s11, s9  }
0x1d0: {  	(drf) =	sdiv.u32 s10, s19;
	s10 =	ssub.s32 s21, s16;
	s19 =	sld [smem:$0x7F5]  }
0x1d1: {  	s9 =	sshra.s32 s7, $0x1F;
	(drf) =	sdiv.u32 s10, s28;
	s28 =	sld [smem:$0x7F4]  }
0x1d2: {  	s2 =	rddreg [dreg:$0x19];
	s21 =	sxor.u32 s9, s7;
	s7 =	sshra.s32 s1, $0x1F  }
0x1d3: {  	s5 =	ssub.s32 s0, s12;
	s1 =	sxor.u32 s7, s1;
	s10 =	rddreg [dreg:$0x9]  }
0x1d4: {  	s18 =	ssub.s32 s4, s19;
	s4 =	rddreg [dreg:$0xd];
	s6 =	ssub.s32 s3, s28  }
0x1d5: {  	s1 =	ssub.s32 s1, s7;
	s0 =	ssub.s32 s23, s4;
	(drf) =	sdiv.u32 s5, s6  }
0x1d6: {  	s5 =	ssub.s32 s15, s11;
	s6 =	ssub.s32 s14, s10;
	s14 =	sshra.s32 s20, $0x1F  }
0x1d7: {  	(drf) =	sdiv.u32 s5, s18;
	s5 =	ssub.s32 s21, s9;
	s21 =	rddreg [dreg:$0xc]  }
0x1d8: {  	s15 =	sxor.u32 s14, s20;
	s18 =	sshra.s32 s25, $0x1F;
	s20 =	rddreg [dreg:$0xa]  }
0x1d9: {  	(drf) =	sdiv.u32 s5, s0;
	s0 =	ssub.s32 s2, s21;
	s5 =	sshra.s32 s31, $0x1F  }
0x1da: {  	s23 =	ssub.s32 s8, s20;
	s25 =	sxor.u32 s18, s25;
	s3 =	sxor.u32 s5, s31  }
0x1db: {  	s2 =	rddreg [dreg:$0x11];
	(drf) =	sdiv.u32 s1, s0;
	s0 =	ssub.s32 s3, s5  }
0x1dc: {  	s31 =	rddreg [dreg:$0xb];
	(drf) =	sdiv.u32 s0, s6;
	s0 =	ssub.s32 s15, s14  }
0x1dd: {  	s8 =	ssub.s32 s25, s18;
	(drf) =	sdiv.u32 s0, s23;
	s0 =	ssub.s32 s2, s31  }
0x1de: {  	s17 =	sxor.u32 s26, s17;
	(drf) =	sdiv.u32 s8, s0;
	s0 =	spop (drf)  }
0x1df: {  	s11 =	sxor.u32 s19, s11;
	s19 =	sld [smem:$0x7C7];
	s1 =	spop (drf)  }
0x1e0: {  	s9 =	sxor.u32 s4, s9;
	s8 =	sxor.u32 s10, s5;
	s5 =	spop (drf)  }
0x1e1: {  	s7 =	sxor.u32 s21, s7;
	s10 =	sxor.u32 s28, s12;
	s12 =	spop (drf)  }
0x1e2: {  	s6 =	sxor.u32 s20, s14;
	s14 =	sxor.u32 s24, s16;
	s16 =	spop (drf)  }
0x1e3: {  	s4 =	sxor.u32 s19, s29;
	s15 =	sxor.u32 s22, s13;
	s20 =	spop (drf)  }
0x1e4: {  	s2 =	sxor.u32 s31, s18;
	s18 =	sxor.u32 s4, s20;
	s22 =	spop (drf)  }
0x1e5: {  	s4 =	ssub.s32 s18, s4;
	s23 =	sxor.u32 s15, s22;
	s24 =	spop (drf)  }
0x1e6: {  	s3 =	ssub.s32 s23, s15;
	v6 =	vmov s4;
	s25 =	sxor.u32 s17, s24;
	s26 =	spop (drf)  }
0x1e7: {  	v6 =	vsel vm3, s3, v6;
	s28 =	ssub.s32 s25, s17;
	s29 =	sxor.u32 s14, s26;
	s31 =	spop (drf);
	vm3 =	vcmask $0x704  }
0x1e8: {  	s17 =	sld [smem:$0x7C8];
	v6 =	vsel vm3, s28, v6;
	s13 =	ssub.s32 s29, s14;
	s14 =	sxor.u32 s10, s31  }
0x1e9: {  	s15 =	spop (drf);
	v6 =	vsel vm0, s13, v6;
	s18 =	ssub.s32 s14, s10;
	s13 =	rddreg [dreg:$0xe]  }
0x1ea: {  	s19 =	sxor.u32 s11, s15;
	s20 =	spop (drf);
	s15 =	rddreg [dreg:$0x10]  }
0x1eb: {  	s21 =	ssub.s32 s19, s11;
	s22 =	sxor.u32 s9, s20;
	s23 =	spop (drf)  }
0x1ec: {  	s4 =	sxor.u32 s13, s30;
	s3 =	sxor.u32 s15, s17;
	s20 =	rddreg [dreg:$0x5]  }
0x1ed: {  	v6 =	vsel vm11, s18, v6;
	s24 =	ssub.s32 s22, s9;
	s25 =	sxor.u32 s7, s23;
	s26 =	spop (drf)  }
0x1ee: {  	v6 =	vsel vm2, s21, v6;
	s18 =	sxor.u32 s4, s16;
	s21 =	sld [smem:$0x7C9];
	s22 =	sxor.u32 s3, s12  }
0x1ef: {  	v6 =	vsel vm12, s24, v6;
	s28 =	ssub.s32 s25, s7;
	s29 =	sxor.u32 s8, s26;
	s31 =	spop (drf)  }
0x1f0: {  	v6 =	vsel vm5, s28, v6;
	s8 =	ssub.s32 s29, s8;
	s9 =	sxor.u32 s6, s31;
	s10 =	spop (drf)  }
0x1f1: {  	s25 =	sld [smem:$0x7CA];
	v6 =	vsel vm13, s8, v6;
	s11 =	ssub.s32 s9, s6;
	s14 =	sxor.u32 s2, s10  }
0x1f2: {  	s19 =	ssub.s32 s18, s4;
	s29 =	sld [smem:$0x7CB];
	v6 =	vsel vm4, s11, v6;
	s2 =	ssub.s32 s14, s2  }
0x1f3: {  	s23 =	ssub.s32 s22, s3;
	s24 =	rddreg [dreg:$0x3];
	s4 =	sxor.u32 s20, s21;
	v6 =	vsel vm14, s2, v6  }
0x1f4: {  	s28 =	rddreg [dreg:$0xf];
	s3 =	sxor.u32 s24, s25;
	s5 =	sxor.u32 s4, s5;
	v6 =	vsel vm6, s19, v6  }
0x1f5: {  	s26 =	ssub.s32 s5, s4;
	s4 =	sxor.u32 s28, s29;
	s1 =	sxor.u32 s3, s1;
	v6 =	vsel vm15, s23, v6  }
0x1f6: {  	s1 =	ssub.s32 s1, s3;
	s0 =	sxor.u32 s4, s0;
	v6 =	vsel vm9, s26, v6  }
0x1f7: {  	s0 =	ssub.s32 s0, s4;
	v6 =	vsel vm10, s1, v6  }
0x1f8: {  	v6 =	vsel vm7, s0, v6  }
0x1f9: {  	vm0 =	vgt.s32 v6, $0x0  }
0x1fa: {  	s30 =	rddreg [dreg:$0x4];
	v6 =	vnsel vm0, $0x0, v6  }
0x1fb: {  	v7 =	vor.u32 s30, v1;
	v6 =	vmin.u32 v6, $0xFF  }
0x1fc: {  	v6 =	vsel vm8, v7, v6  }
0x1fd: {  	s12 =	sld [smem:$0x7EC];
	v6 =	vcvt.s32.f32 v6  }
0x1fe: {  	s31 =	rddreg [dreg:$0x6]  }
0x1ff: {  	s13 =	simm.s32 $0x0;
	s6 =	rddreg [dreg:$0x0];
	v6 =	vmul.f32 $3.921568860e-03, v6  }
0x200: {  	s7 =	simm.s32 $0x0;
	s8 =	sld [smem:$0x7FD];
	s0 =	sadd.s32 $0x10, s31  }
0x201: {  	vm2 =	vmmov vm6;
	s9 =	simm.s32 $0x1;
	s10 =	simm.s32 $0x9100;
	s11 =	simm.s32 $0x4000;
	vm6 =	vmmov vm7;
	[tilespmem:s0+$0x0] =	vst v6  }
.LBB2_15:
0x202: {  	s0 =	sshll.u32 s13, $0xE  }
0x203: {  	s0 =	sadd.s32 s12, s0  }
0x204: {  	s0 =	sshrl.u32 s0, $0x3  }
0x205: {  	s2 =	simm.s32 $0x0;
	s1 =	sadd.s32 s6, s0  }
0x206: {  	[tilespmem:s2], [sflag:$0x1] =	stream.linear.gather [hbm4b:s1+s2], $0x4000, $0x38;
	[tilespmem:$0x9200] =	vst v63  }
0x207: {  	_ =	swait.ge [sflag:s9], $0x4000  }
0x208: {  	[sflag:s9] =	ssyncset.done $0x0  }
0x209: {  	s2 =	simm.s32 $0x0;
	[sflag:s9] =	ssyncadd.s32 $0xFFFFC000  }
0x20a: {  	v6 =	vld [tilespmem:s2+$0x0];
	_ =	sdelay $0x4  }
0x20b: {  	s1 =	simm.s32 $0x10;
	v6 =	vmul.f32 $2.560000000e+02, v6  }
0x20c: {  	v7 =	vld [tilespmem:s1+$0x0]  }
0x20d: {  	v6 =	vtrunc.f32 v6  }
0x20e: {  	v6 =	vcvt.f32.s32 v6;
	_ =	sdelay $0x1  }
0x20f: {  	vm0 =	vgt.s32 v6, $0x0  }
0x210: {  	v7 =	vmul.f32 $2.560000000e+02, v7;
	v6 =	vnsel vm0, $0x0, v6  }
0x211: {  	s3 =	simm.s32 $0x20;
	v6 =	vmin.u32 v6, $0xFF  }
0x212: {  	v8 =	vld [tilespmem:s3+$0x0];
	v7 =	vtrunc.f32 v7  }
0x213: {  	v7 =	vcvt.f32.s32 v7;
	_ =	sdelay $0x1  }
0x214: {  	vm0 =	vgt.s32 v7, $0x0  }
0x215: {  	v7 =	vnsel vm0, $0x0, v7;
	v6 =	vld.idx.msk [tilespmem:v6+s10+$0x0], $0xffff  }
0x216: {  	v8 =	vmul.f32 $2.560000000e+02, v8;
	v7 =	vmin.u32 v7, $0xFF  }
0x217: {  	s4 =	simm.s32 $0x30;
	s5 =	simm.s32 $0x100  }
.LBB2_16:
0x218: {  	p0 =	sne.s32 s5, $0xFFC0;
	v9 =	vld [tilespmem:s4+$0x0];
	v8 =	vtrunc.f32 v8  }
0x219: {  	v8 =	vcvt.f32.s32 v8  }
.Ltmp6:
0x21a: {  	[tilespmem:s2+$0x4000] =	vst v6;
	s2 =	smov.u32 s1;
	s1 =	smov.u32 s3;
	(pc) =	sbr.rel @p0 .LBB2_16-.Ltmp6, $4  }
0x21b: {  	s3 =	smov.u32 s4;
	vm0 =	vgt.s32 v8, $0x0;
	v6 =	vld.idx.msk [tilespmem:v7+s10+$0x0], $0xffff  }
0x21c: {  	v7 =	vnsel vm0, $0x0, v8  }
0x21d: {  	v8 =	vmul.f32 $2.560000000e+02, v9;
	v7 =	vmin.u32 v7, $0xFF  }
0x21e: {  	s4 =	sshra.s32 s5, $0x2;
	s5 =	sadd.s32 $0x40, s5  }
0x21f: {  	v9 =	vld [tilespmem:s4+$0x0]  }
0x220: {  	v8 =	vtrunc.f32 v8  }
0x221: {  	v8 =	vcvt.f32.s32 v8;
	_ =	sdelay $0x1  }
0x222: {  	[tilespmem:s2+$0x4000] =	vst v6;
	vm0 =	vgt.s32 v8, $0x0  }
0x223: {  	v6 =	vld.idx.msk [tilespmem:v7+s10+$0x0], $0xffff;
	v7 =	vnsel vm0, $0x0, v8;
	v63 =	vmul.f32 $2.560000000e+02, v9  }
0x224: {  	v7 =	vmin.u32 v7, $0xFF  }
0x225: {  	v8 =	vtrunc.f32 v63  }
0x226: {  	v8 =	vcvt.f32.s32 v8;
	_ =	sdelay $0x1  }
0x227: {  	[tilespmem:s1+$0x4000] =	vst v6;
	vm0 =	vgt.s32 v8, $0x0  }
0x228: {  	v6 =	vld.idx.msk [tilespmem:v7+s10+$0x0], $0xffff;
	v7 =	vnsel vm0, $0x0, v8  }
0x229: {  	v7 =	vmin.u32 v7, $0xFF;
	_ =	sdelay $0x3  }
0x22a: {  	[tilespmem:s3+$0x4000] =	vst v6  }
0x22b: {  	v6 =	vld.idx.msk [tilespmem:v7+s10+$0x0], $0xffff;
	_ =	sdelay $0x2  }
0x22c: {  	s13 =	sadd.s32 $0x1, s13  }
0x22d: {  	p0 =	sne.s32 s13, $0x10  }
.Ltmp7:
0x22e: {  	s0 =	sadd.s32 s8, s0;
	[tilespmem:s4+$0x4000] =	vst v6;
	(pc) =	sbr.rel @p0 .LBB2_15-.Ltmp7, $4  }
0x22f: {  	[hbm4b:s0+s7] =	stream.linear.scatter [tilespmem:s11], [sflag:$0x1], $0x4000, $0x38;
	[tilespmem:$0x9200] =	vst v63  }
0x230: {  	_ =	swait.ge [sflag:s9], $0x4000  }
0x231: {  	[sflag:s9] =	ssyncset.done $0x0  }
0x232: {  	[sflag:s9] =	ssyncadd.s32 $0xFFFFC000  }
0x233: {  	s2 =	sld [smem:$0x7F9];
	_ =	sdelay $0x2  }
0x234: {  	s2 =	sadd.s32 $0x1, s2  }
0x235: {  	p0 =	sne.s32 s2, $0x3  }
.Ltmp8:
0x236: {  	_ = 	snop;
	(pc) =	sbr.rel @p0 .LBB2_2-.Ltmp8, $3  }
0x237: {  	_ =	sdelay $0x1  }
0x238: {  	vm0 =	vmmov vm1;
	vm1 =	vcmask $0x1310  }
0x239: {  	vm3 =	vcmask $0x300;
	vm4 =	vcmask $0x2320;
	vm7 =	vmmov vm6;
	s5 =	simm.s32 $0x8000  }
0x23a: {  	s1 =	sld [smem:$0x7FA]  }
0x23b: {  	s0 =	sld [smem:$0x7FC];
	_ =	sdelay $0x1  }
0x23c: {  	s1 =	sadd.s32 $0x1, s1  }
0x23d: {  	p0 =	sne.s32 s1, s0  }
.Ltmp9:
0x23e: {  	_ = 	snop;
	(pc) =	sbr.rel @p0 .LBB2_1-.Ltmp9, $1  }
0x23f: {  	_ =	sdelay $0x3  }
0x240: {  	_ =	sfence.sel $0x180000  }
0x241: {  	[bflag:$0x0] =	sbarrier.arrive $0xFFFF  }
0x242: {  	_ =	strace $0x9000004A  }
0x243: {  	s0 =	stileid.u32;
	[bflag:$0x2] =	sbarrier.arrive $0xFFFF  }
0x244: {  	p0 =	sne.s32 s0, $0x0;
	s0 =	rddreg [dreg:$0x2]  }
0x245: {  	s0 =	sadd.s32 @!p0 $0x100000, s0  }
0x246: {  	[sflag:s0] =	ssyncadd.tile.s32 @!p0 $0x1;
	_ =	shalt  }
.Lfunc_end2:
_tile_overlayer_lowered:
.L_overlay_start_2:
0x247: {  	(tag) =	ssettag $0x2  }
0x248: {  	s0 =	rddreg [dreg:$0x0];
	s2 =	stileid.u32  }
0x249: {  	s1 =	rddreg [dreg:$0x1];
	p0 =	sne.s32 s2, $0x0  }
0x24a: {  	s3 =	rddreg [dreg:$0x2];
	[bflag:$0x3] =	sbarrier.arrive $0xFFFF;
	s2 =	simm.s32 @!p0 $0x1C01  }
0x24b: {  	[timem:s3], [sflag:s2] =	dma.local @!p0 [hbm:s0], s1  }
0x24c: {  	s0 =	simm.s32 @!p0 $0x1  }
0x24d: {  	_ =	swait.ge @!p0 [sflag:s0], s1  }
0x24e: {  	s1 =	ssub.s32 @!p0 $0x0, s1;
	[sflag:s0] =	ssyncset.done @!p0 $0x0  }
0x24f: {  	[sflag:s0] =	ssyncadd.s32 @!p0 s1  }
0x250: {  	[bflag:$0x3] =	sbarrier.arrive $0xFFFF  }
0x251: {  	_ =	shalt  }

// kernel: sparse-core-data-format-call.cloned.1.call-start
scs
called_computation_lowered:
.L_overlay_start_0:
0x0: {  	s2 =	sld [smem:$0x3FD9]  }
0x1: {  	s3 =	sld [smem:$0x3FFE];
	_ =	sdelay $0x1  }
0x2: {  	s1 =	srdreg.scid  }
0x3: {  	s0 =	sand.u32 $0x1, s1  }
0x4: {  	s16 =	sshll.u32 s0, $0xA;
	s2 =	sadd.s32 s3, s2  }
0x5: {  	s2 =	sadd.s32 s2, s16  }
0x6: {  	[smem:$0x3FC6] =	sst s2  }
0x7: {  	_ = 	snop  }
0x8: {  	s2 =	sld [smem:$0x3FD0];
	_ =	sdelay $0x2  }
0x9: {  	s4 =	simm.s32 $0xA;
	s5 =	simm.s32 $0x10;
	s17 =	sld [smem:$0x3FC9]  }
0xa: {  	[smem:s5], [sflag:s4] =	dma.local [hbm:s2], $0x1  }
0xb: {  	_ =	swait.eq [sflag:s4], $0x1  }
0xc: {  	[sflag:s4] =	ssyncset.done $0x0  }
0xd: {  	[sflag:s4] =	ssyncadd.s32 $0xFFFFFFFF  }
0xe: {  	s18 =	sld [smem:$0x10];
	(tm) =	ssettm $0x1  }
0xf: {  	s19 =	sld [smem:$0x3FFB];
	_ =	sdelay $0x3  }
0x10: {  	_ =	strace s19  }
0x11: {  	s4 =	sld [smem:$0x3FFC];
	_ =	sdelay $0x3  }
0x12: {  	_ =	strace s4  }
0x13: {  	s4 =	sld [smem:$0x3FFD];
	_ =	sdelay $0x3  }
0x14: {  	_ =	strace s4  }
0x15: {  	_ =	strace $0x8FFFFFFF  }
0x16: {  	s20 =	sld [smem:$0x3FDB];
	_ =	sdelay $0x1  }
0x17: {  	s21 =	simm.s32 $_scs_section_size  }
0x18: {  	s6 =	simm.s32 $_size__tile_overlayer_lowered;
	s7 =	simm.s32 $_tile_overlayer_lowered  }
0x19: {  	s24 =	simm.s32 $0x1BFF;
	s23 =	sshll.u32 s7, $0x1;
	s4 =	sadd.s32 s21, s20  }
0x1a: {  	s8 =	simm.s32 $0x0;
	s22 =	sshll.u32 s6, $0x1;
	s6 =	sadd.s32 s23, s4  }
0x1b: {  	[timem:s8], [sflag:s24] =	dma.local [hbm:s6], s22  }
0x1c: {  	_ =	swait.ge [sflag:s24], s22  }
0x1d: {  	s5 =	ssub.s32 $0x0, s22;
	[sflag:s24] =	ssyncset.done $0x0  }
0x1e: {  	[sflag:s24] =	ssyncadd.s32 s5;
	_ =	sdelay $0x1  }
0x1f: {  	s25 =	simm.s32 $0x1B8B  }
0x20: {  	_ =	swait.ge [sflag:s25], $0x1  }
0x21: {  	[sflag:s25] =	ssyncset.done $0x0  }
0x22: {  	s26 =	simm.s32 $0x1B8E;
	[sflag:s25] =	ssyncadd.s32 $0xFFFFFFFF  }
0x23: {  	s27 =	simm.s32 $execute0_lowered;
	[smem:$0x3FD2] =	sst s26  }
0x24: {  	s5 =	sshll.u32 s27, $0x1;
	_ =	strace $0x80000046;
	[dreg:$0x1] =	wrdreg $0xFFFFFFFF  }
0x25: {  	s28 =	simm.s32 $_size_execute0_lowered;
	s4 =	sadd.s32 s4, s5;
	[dreg:$0x0] =	wrdreg $0x0  }
0x26: {  	s5 =	sshll.u32 s28, $0x1;
	[dreg:$0x2] =	wrdreg s4  }
0x27: {  	[dreg:$0x3] =	wrdreg s5  }
0x28: {  	[dreg:$0x4] =	wrdreg $0xC0  }
0x29: {  	_ =	task [dreg:s8], $0x5FFFF  }
0x2a: {  	[dreg:$0x1] =	wrdreg $0xFFFFFFFF  }
0x2b: {  	[dreg:$0x0] =	wrdreg $0x60  }
0x2c: {  	[dreg:$0x2] =	wrdreg s17  }
0x2d: {  	[dreg:$0x3] =	wrdreg s18  }
0x2e: {  	[dreg:$0x4] =	wrdreg $0x9  }
0x2f: {  	_ =	task.clear_ibuf [dreg:s8], $0x5FFFF;
	_ =	strace $0x90000046  }
0x30: {  	s29 =	simm.s32 $0x9;
	_ =	strace $0x80000048  }
0x31: {  	_ =	swait.ge [sflag:s29], $0x1  }
0x32: {  	[sflag:s29] =	ssyncadd.s32 $0xFFFFFFFF  }
0x33: {  	_ =	strace $0x90000048  }
0x34: {  	_ =	sfence  }
0x35: {  	s30 =	sld [smem:$0x0];
	_ =	sdelay $0x2  }
0x36: {  	s31 =	sshll.u32 s1, $0xD;
	s1 =	sshrl.u32 s1, $0x2  }
0x37: {  	s3 =	sand.u32 $0x4000, s31;
	s1 =	sadd.s32 s1, s30  }
0x38: {  	s0 =	sor.u32 s3, s0;
	s1 =	sshll.u32 s1, $0x11  }
0x39: {  	s0 =	sor.u32 s1, s0  }
0x3a: {  	s0 =	sadd.s32 $0x8F2B, s0  }
0x3b: {  	[sflag:s0] =	ssyncadd.remote.s32 $0x1  }
0x3c: {  	_ =	sfence.sel $0xFFFF  }
0x3d: {  	[dreg:$0x0] =	wrdreg $0xFFFFFFFF;
	(pc) =	sbr.abs _section_cstart, $3  }
0x3e: {  	[dreg:$0x1] =	wrdreg $0xFFFFFFFF  }
0x3f: {  	_ =	task.clear_ibuf [dreg:s8], $0x2FFFF;
	_ =	strace $0x9FFFFFFF  }
0x40: {  	(tm) =	ssettm $0x7FFFFFFF  }
0x41: {  	_ =	shalt  }
tec
execute0_lowered:
.L_overlay_start_1:
0x0: {  	(tag) =	ssettag $0x1  }
0x1: {  	s0 =	srdreg.scid  }
0x2: {  	s1 =	sshll.u32 s0, $0x4  }
0x3: {  	s2 =	rddreg [dreg:$0x0];
	s0 =	stileid.u32;
	s1 =	sand.u32 $0x10, s1  }
0x4: {  	s4 =	rddreg [dreg:$0x1];
	s1 =	sor.u32 s0, s1  }
0x5: {  	s7 =	simm.s32 $0x1;
	s8 =	simm.s32 $0x2;
	s3 =	sshll.u32 s1, $0x2  }
0x6: {  	s9 =	simm.s32 $0x0;
	s12 =	simm.s32 $0x0;
	s6 =	ssub.s32 $0x1800, s3  }
.Ltmp0:
0x7: {  	s11 =	simm.s32 $0x0;
	s5 =	sand.u32 $0x7C, s6;
	(pc) =	sbr.rel .LBB1_1-.Ltmp0, $4  }
0x8: {  	s1 =	rddreg [dreg:$0x2];
	_ =	strace $0x80000047;
	p0 =	sne.s32 s5, $0x0  }
0x9: {  	s6 =	sshrl.u32 s6, $0x7;
	s5 =	simm.s32 $0x1;
	s7 =	simm.s32 @!p0 $0x0  }
0xa: {  	s10 =	smov.u32 s3;
	[sflag:s5] =	ssyncpa.u1 $0x0;
	s6 =	sadd.s32 s7, s6  }
0xb: {  	[sflag:s8] =	ssyncpa.u1 $0x0;
	s8 =	simm.s32 $0x0;
	s7 =	sadd.s32 $0x1, s6  }
.LBB1_9:
0xc: {  	s14 =	sadd.s32 $0x80, s10  }
0xd: {  	p1 =	sgt.s32 s14, $0x17FF  }
0xe: {  	s14 =	smov.u32 @p1 s3;
	p1 =	sne.s32 s11, s7  }
.Ltmp1:
0xf: {  	p0 =	slt.u32 s11, $0x2;
	(pc) =	sbr.rel @!p1 .LBB1_10-.Ltmp1, $4  }
0x10: {  	s13 =	simm.s32 @!p0 $0x2  }
0x11: {  	s15 =	sadd.s32 $0x1, s11;
	_ =	swait.ge @!p0 [sflag:s13], $0x4000  }
0x12: {  	s12 =	smov.u32 s10;
	s9 =	sadd.s32 $0x4000, s9;
	[sflag:s13] =	ssyncset.done @!p0 $0x0  }
0x13: {  	s11 =	smov.u32 s15;
	s10 =	smov.u32 s14;
	[sflag:s13] =	ssyncadd.s32 @!p0 $0xFFFFC000  }
.LBB1_1:
0x14: {  	p0 =	sge.u32 s11, s6  }
0x15: {  	s13 =	sxor.u32 @!p0 $0xFFFFFFFF, s11  }
0x16: {  	s31 =	sadd.s32 $0xFFFFFFFF, s11;
	s14 =	sshll.u32 @!p0 s10, $0x9;
	s13 =	sshll.u32 @!p0 s13, $0xE  }
0x17: {  	s15 =	simm.s32 @!p0 $0x0;
	s14 =	sadd.s32 @!p0 s2, s14;
	s13 =	sand.u32 @!p0 $0x4000, s13  }
0x18: {  	[tilespmem:s13], [sflag:$0x1] =	stream.linear.gather @!p0 [hbm4b:s14+s15], $0x4000, $0x38;
	[tilespmem:$0x10000] =	vst v63  }
0x19: {  	p0 =	sge.u32 s31, s6  }
.Ltmp2:
0x1a: {  	_ = 	snop;
	(pc) =	sbr.rel @p0 .LBB1_9-.Ltmp2, $1  }
0x1b: {  	_ =	sdelay $0x3  }
0x1c: {  	s14 =	sand.u32 $0x4000, s9  }
0x1d: {  	_ =	swait.ge [sflag:s5], $0x4000;
	s15 =	sshll.u32 s11, $0xE;
	s16 =	simm.s32 $0x0  }
0x1e: {  	s13 =	sor.u32 $0x40, s14;
	[sflag:s5] =	ssyncset.done $0x0;
	s15 =	sand.u32 $0x4000, s15  }
0x1f: {  	s14 =	sor.u32 $0x8040, s14;
	[sflag:s5] =	ssyncadd.s32 $0xFFFFC000;
	s15 =	sor.u32 $0x8000, s15  }
.LBB1_3:
0x20: {  	s17 =	smov.u32 s14;
	s18 =	smov.u32 s13;
	s19 =	simm.s32 $0x0  }
.LBB1_4:
0x21: {  	v0 =	vmov s17;
	v2 =	vld [tilespmem:s18+$0x30]  }
0x22: {  	v4 =	vld [tilespmem:s18+$0xFFFFFFD0]  }
0x23: {  	v6 =	vld [tilespmem:s18+$0xFFFFFFE0]  }
0x24: {  	v7 =	vld [tilespmem:s18+$0xFFFFFFF0]  }
0x25: {  	s20 =	simm.s32 $0x0;
	v1 =	vld [tilespmem:s18+$0x0]  }
0x26: {  	v3 =	vld [tilespmem:s18+$0x10];
	[tilespmem:v0+s20+$0x30 ss:$0x1] =	vst.idx.msk $0xffff, v2  }
0x27: {  	v5 =	vld [tilespmem:s18+$0x20];
	[tilespmem:v0+s20+$0xFFFFFFD0 ss:$0x1] =	vst.idx.msk $0xffff, v4  }
0x28: {  	s21 =	sadd.s32 $0x80, s18;
	v2 =	vld [tilespmem:s18+$0xFFFFFFC0];
	[tilespmem:v0+s20+$0xFFFFFFE0 ss:$0x1] =	vst.idx.msk $0xffff, v6  }
0x29: {  	s22 =	simm.s32 $0x800;
	s23 =	simm.s32 $0x1000;
	v4 =	vld [tilespmem:s21+$0x30];
	[tilespmem:v0+s20+$0xFFFFFFF0 ss:$0x1] =	vst.idx.msk $0xffff, v7  }
.LBB1_5:
0x2a: {  	p0 =	sne.s32 s23, $0x3800;
	v6 =	vld [tilespmem:s21+$0xFFFFFFD0];
	[tilespmem:v0+s20+$0x0 ss:$0x1] =	vst.idx.msk $0xffff, v1  }
0x2b: {  	v7 =	vld [tilespmem:s21+$0xFFFFFFE0];
	[tilespmem:v0+s20+$0x10 ss:$0x1] =	vst.idx.msk $0xffff, v3  }
0x2c: {  	v8 =	vld [tilespmem:s21+$0xFFFFFFF0];
	[tilespmem:v0+s20+$0x20 ss:$0x1] =	vst.idx.msk $0xffff, v5  }
.Ltmp3:
0x2d: {  	v1 =	vld [tilespmem:s21+$0x0];
	[tilespmem:v0+s20+$0xFFFFFFC0 ss:$0x1] =	vst.idx.msk $0xffff, v2;
	s20 =	sshra.s32 s22, $0x2;
	s22 =	smov.u32 s23;
	(pc) =	sbr.rel @p0 .LBB1_5-.Ltmp3, $4  }
0x2e: {  	v3 =	vld [tilespmem:s21+$0x10];
	[tilespmem:v0+s20+$0x30 ss:$0x1] =	vst.idx.msk $0xffff, v4  }
0x2f: {  	[tilespmem:v0+s20+$0xFFFFFFD0 ss:$0x1] =	vst.idx.msk $0xffff, v6;
	v5 =	vld [tilespmem:s21+$0x20]  }
0x30: {  	v2 =	vld [tilespmem:s21+$0xFFFFFFC0];
	[tilespmem:v0+s20+$0xFFFFFFE0 ss:$0x1] =	vst.idx.msk $0xffff, v7;
	s21 =	sadd.s32 $0x80, s21  }
0x31: {  	s23 =	sadd.s32 $0x800, s23;
	v4 =	vld [tilespmem:s21+$0x30];
	[tilespmem:v0+s20+$0xFFFFFFF0 ss:$0x1] =	vst.idx.msk $0xffff, v8  }
0x32: {  	_ =	sdelay $0x3  }
0x33: {  	v6 =	vld [tilespmem:s21+$0xFFFFFFD0];
	[tilespmem:v0+s20+$0x0 ss:$0x1] =	vst.idx.msk $0xffff, v1  }
0x34: {  	v58 =	vld [tilespmem:s21+$0xFFFFFFE0];
	[tilespmem:v0+s20+$0x10 ss:$0x1] =	vst.idx.msk $0xffff, v3  }
0x35: {  	v59 =	vld [tilespmem:s21+$0xFFFFFFF0];
	[tilespmem:v0+s20+$0x20 ss:$0x1] =	vst.idx.msk $0xffff, v5  }
0x36: {  	s22 =	sshra.s32 s22, $0x2;
	v60 =	vld [tilespmem:s21+$0x0];
	[tilespmem:v0+s20+$0xFFFFFFC0 ss:$0x1] =	vst.idx.msk $0xffff, v2  }
0x37: {  	v61 =	vld [tilespmem:s21+$0x10];
	[tilespmem:v0+s22+$0x30 ss:$0x1] =	vst.idx.msk $0xffff, v4  }
0x38: {  	v62 =	vld [tilespmem:s21+$0x20];
	s19 =	sadd.s32 $0x1, s19;
	[tilespmem:v0+s22+$0xFFFFFFD0 ss:$0x1] =	vst.idx.msk $0xffff, v6  }
0x39: {  	v63 =	vld [tilespmem:s21+$0xFFFFFFC0];
	p0 =	sne.s32 s19, $0x4;
	[tilespmem:v0+s22+$0xFFFFFFE0 ss:$0x1] =	vst.idx.msk $0xffff, v58  }
.Ltmp4:
0x3a: {  	[tilespmem:v0+s22+$0xFFFFFFF0 ss:$0x1] =	vst.idx.msk $0xffff, v59;
	(pc) =	sbr.rel @p0 .LBB1_4-.Ltmp4, $4  }
0x3b: {  	[tilespmem:v0+s22+$0x0 ss:$0x1] =	vst.idx.msk $0xffff, v60  }
0x3c: {  	[tilespmem:v0+s22+$0x10 ss:$0x1] =	vst.idx.msk $0xffff, v61  }
0x3d: {  	[tilespmem:v0+s22+$0x20 ss:$0x1] =	vst.idx.msk $0xffff, v62  }
0x3e: {  	s18 =	sadd.s32 $0x400, s18;
	s17 =	sadd.s32 $0x80, s17;
	[tilespmem:v0+s22+$0xFFFFFFC0 ss:$0x1] =	vst.idx.msk $0xffff, v63  }
0x3f: {  	s16 =	sadd.s32 $0x1, s16  }
0x40: {  	p0 =	sne.s32 s16, $0x4  }
.Ltmp5:
0x41: {  	_ = 	snop;
	(pc) =	sbr.rel @p0 .LBB1_3-.Ltmp5, $2  }
0x42: {  	_ =	sdelay $0x2  }
0x43: {  	s13 =	sadd.s32 $0x1000, s13;
	s14 =	sadd.s32 $0x1000, s14  }
.Ltmp6:
0x44: {  	(pc) =	sbr.rel .LBB1_9-.Ltmp6, $4  }
0x45: {  	_ = 	snop  }
0x46: {  	s12 =	sshll.u32 s12, $0x9  }
0x47: {  	s12 =	sadd.s32 s4, s12  }
0x48: {  	[hbm4b:s12+s8] =	stream.linear.scatter [tilespmem:s15], [sflag:$0x2], $0x4000, $0x38;
	[tilespmem:$0x10000] =	vst v63  }
.LBB1_10:
0x49: {  	_ =	sfence.sel $0x180000  }
0x4a: {  	s2 =	simm.s32 $0x1;
	[bflag:$0x0] =	sbarrier.arrive $0xFFFF  }
0x4b: {  	s31 =	simm.s32 $0x2;
	[sflag:s2] =	ssyncpa.u1 $0x1  }
0x4c: {  	[sflag:s31] =	ssyncpa.u1 $0x1  }
0x4d: {  	p0 =	sne.s32 s0, $0x0;
	_ =	strace $0x90000047  }
0x4e: {  	s0 =	sadd.s32 @!p0 $0x100000, s1;
	[bflag:$0x2] =	sbarrier.arrive $0xFFFF  }
0x4f: {  	[sflag:s0] =	ssyncadd.tile.s32 @!p0 $0x1;
	_ =	shalt  }
.Lfunc_end1:
_tile_overlayer_lowered:
.L_overlay_start_2:
0x50: {  	(tag) =	ssettag $0x2  }
0x51: {  	s0 =	rddreg [dreg:$0x0];
	s2 =	stileid.u32  }
0x52: {  	s1 =	rddreg [dreg:$0x1];
	p0 =	sne.s32 s2, $0x0  }
0x53: {  	s3 =	rddreg [dreg:$0x2];
	[bflag:$0x3] =	sbarrier.arrive $0xFFFF;
	s2 =	simm.s32 @!p0 $0x1C01  }
0x54: {  	[timem:s3], [sflag:s2] =	dma.local @!p0 [hbm:s0], s1  }
0x55: {  	s0 =	simm.s32 @!p0 $0x1  }
0x56: {  	_ =	swait.ge @!p0 [sflag:s0], s1  }
0x57: {  	s1 =	ssub.s32 @!p0 $0x0, s1;
	[sflag:s0] =	ssyncset.done @!p0 $0x0  }
0x58: {  	[sflag:s0] =	ssyncadd.s32 @!p0 s1  }
0x59: {  	[bflag:$0x3] =	sbarrier.arrive $0xFFFF  }
0x5a: {  	_ =	shalt  }

</sc_bundles>
